<compile_context>
chip_gen: v7x
topology: tpu7x:2x2x1
jax: 0.10.2.dev20260603
libtpu: 0.0.44.dev20260713+nightly
codegen_flags: <defaults>
</compile_context>

<pallas_src>
import functools

import jax
import jax.numpy as jnp
from jax import lax
from jax.experimental import pallas as pl
from jax.experimental.pallas import tpu as pltpu
from jax.experimental.pallas import tpu_sc as plsc

NC = 2
NS = 16
NW = NC * NS
EB = 128


def _sc_scatter_rows(d, rw, nrows_pad, gather, nbuf, phases, tc_tiling=False):
  rows_per_tile = nrows_pad // NS
  rwp = rw // phases
  mesh = plsc.VectorSubcoreMesh(core_axis_name="c", subcore_axis_name="s")
  scr = [
      pltpu.VMEM((rwp, EB), jnp.int32),
      pltpu.VMEM((rwp, EB), jnp.int32),
  ]
  scr += [pltpu.VMEM((EB, d), jnp.float32) for _ in range(nbuf)]
  scr += [pltpu.SemaphoreType.DMA for _ in range(2 * nbuf)]
  scr += [pltpu.VMEM_SHARED((nrows_pad, d), jnp.float32)]

  @functools.partial(
      pl.kernel,
      out_type=jax.ShapeDtypeStruct((NC, nrows_pad, d), jnp.float32),
      mesh=mesh,
      compiler_params=pltpu.CompilerParams(use_tc_tiling_on_sc=tc_tiling),
      scratch_types=scr,
  )
  def k(table_hbm, src_hbm, dst_hbm, zeros_hbm, out_hbm, srcb, dstb, *rest):
    rows = rest[:nbuf]
    gsem = rest[nbuf:2 * nbuf]
    ssem = rest[2 * nbuf:3 * nbuf]
    acc = rest[3 * nbuf]
    c = lax.axis_index("c")
    s = lax.axis_index("s")
    wid = c * NS + s
    r0 = s * rows_per_tile
    pltpu.sync_copy(zeros_hbm.at[pl.ds(r0, rows_per_tile)],
                    acc.at[pl.ds(r0, rows_per_tile)])
    if not gather:
      pltpu.sync_copy(table_hbm, rows[0])
    plsc.subcore_barrier()

    def gdesc(j, b):
      return pltpu.make_async_copy(table_hbm.at[srcb.at[j]], rows[b], gsem[b])

    def sdesc(j, b):
      src = rows[b] if gather else rows[0]
      return pltpu.make_async_copy(src, acc.at[dstb.at[j]], ssem[b])

    for ph in range(phases):
      er0 = wid * rw + ph * rwp
      if gather:
        pltpu.sync_copy(src_hbm.at[pl.ds(er0, rwp)], srcb)
      pltpu.sync_copy(dst_hbm.at[pl.ds(er0, rwp)], dstb)

      if gather:
        for b in range(nbuf):
          gdesc(b, b).start()
      else:
        for b in range(nbuf):
          sdesc(b, b).start(add=True)

      def grp(g, carry):
        base = g * nbuf
        if gather:
          for b in range(nbuf):
            j = base + b
            gdesc(j, b).wait()
            sdesc(j, b).start(add=True)
          for b in range(nbuf):
            j = base + b
            sdesc(j, b).wait()

            @pl.when(j + nbuf < rwp)
            def _(j=j, b=b):
              gdesc(j + nbuf, b).start()
        else:
          for b in range(nbuf):
            j = base + b
            sdesc(j, b).wait()

            @pl.when(j + nbuf < rwp)
            def _(j=j, b=b):
              sdesc(j + nbuf, b).start(add=True)
        return carry

      lax.fori_loop(0, rwp // nbuf, grp, 0)

    plsc.subcore_barrier()
    pltpu.sync_copy(acc.at[pl.ds(r0, rows_per_tile)],
                    out_hbm.at[c].at[pl.ds(r0, rows_per_tile)])

  return k


def _sc_agg_fsplit(dh, rw_tile, nrows_pad, nbuf):
  d = dh // 2
  rows_per_tile = nrows_pad // NS
  mesh = plsc.VectorSubcoreMesh(core_axis_name="c", subcore_axis_name="s")
  scr = [
      pltpu.VMEM((rw_tile, EB), jnp.int32),
      pltpu.VMEM((rw_tile, EB), jnp.int32),
  ]
  scr += [pltpu.VMEM((EB, d), jnp.float32) for _ in range(nbuf)]
  scr += [pltpu.SemaphoreType.DMA for _ in range(2 * nbuf)]
  scr += [pltpu.VMEM_SHARED((nrows_pad, d), jnp.float32)]

  @functools.partial(
      pl.kernel,
      out_type=jax.ShapeDtypeStruct((NC, nrows_pad, d), jnp.float32),
      mesh=mesh,
      compiler_params=pltpu.CompilerParams(use_tc_tiling_on_sc=False),
      scratch_types=scr,
  )
  def k(table_hbm, src_hbm, dst_hbm, zeros_hbm, out_hbm, srcb, dstb, *rest):
    rows = rest[:nbuf]
    gsem = rest[nbuf:2 * nbuf]
    ssem = rest[2 * nbuf:3 * nbuf]
    acc = rest[3 * nbuf]
    c = lax.axis_index("c")
    s = lax.axis_index("s")
    r0 = s * rows_per_tile
    pltpu.sync_copy(zeros_hbm.at[pl.ds(r0, rows_per_tile)],
                    acc.at[pl.ds(r0, rows_per_tile)])
    er0 = s * rw_tile
    pltpu.sync_copy(src_hbm.at[pl.ds(er0, rw_tile)], srcb)
    pltpu.sync_copy(dst_hbm.at[pl.ds(er0, rw_tile)], dstb)
    plsc.subcore_barrier()

    table_c = table_hbm.at[c]

    def gdesc(j, b):
      return pltpu.make_async_copy(table_c.at[srcb.at[j]], rows[b], gsem[b])

    def sdesc(j, b):
      return pltpu.make_async_copy(rows[b], acc.at[dstb.at[j]], ssem[b])

    for b in range(nbuf):
      gdesc(b, b).start()

    def grp(g, carry):
      base = g * nbuf
      for b in range(nbuf):
        j = base + b
        gdesc(j, b).wait()
        sdesc(j, b).start(add=True)
      for b in range(nbuf):
        j = base + b
        sdesc(j, b).wait()

        @pl.when(j + nbuf < rw_tile)
        def _(j=j, b=b):
          gdesc(j + nbuf, b).start()
      return carry

    lax.fori_loop(0, rw_tile // nbuf, grp, 0)
    plsc.subcore_barrier()
    pltpu.sync_copy(acc.at[pl.ds(r0, rows_per_tile)],
                    out_hbm.at[c].at[pl.ds(r0, rows_per_tile)])

  return k


def _tc_matmul(x, w1):
  m, din = x.shape
  dh = w1.shape[1]
  bm = 1000

  def body(x_ref, w_ref, h_ref):
    h_ref[:] = jnp.dot(x_ref[:], w_ref[:], preferred_element_type=jnp.float32)

  return pl.pallas_call(
      body,
      grid=(m // bm,),
      in_specs=[
          pl.BlockSpec((bm, din), lambda i: (i, 0)),
          pl.BlockSpec((din, dh), lambda i: (0, 0)),
      ],
      out_specs=pl.BlockSpec((bm, dh), lambda i: (i, 0)),
      out_shape=jax.ShapeDtypeStruct((m, dh), jnp.float32),
  )(x, w1)


def _tc_prescale(h, degp):
  m, dh = h.shape
  d = dh // 2
  bm = 1000

  def body(h_ref, dp_ref, g_ref, dis_ref):
    deg = dp_ref[0, :, 0:1] + dp_ref[1, :, 0:1] + 1.0
    dis = lax.rsqrt(deg)
    g = h_ref[:] * dis
    g_ref[0] = g[:, :d]
    g_ref[1] = g[:, d:]
    dis_ref[:] = dis

  return pl.pallas_call(
      body,
      grid=(m // bm,),
      in_specs=[
          pl.BlockSpec((bm, dh), lambda i: (i, 0)),
          pl.BlockSpec((NC, bm, 16), lambda i: (0, i, 0)),
      ],
      out_specs=[
          pl.BlockSpec((NC, bm, d), lambda i: (0, i, 0)),
          pl.BlockSpec((bm, 1), lambda i: (i, 0)),
      ],
      out_shape=[
          jax.ShapeDtypeStruct((NC, m, d), jnp.float32),
          jax.ShapeDtypeStruct((m, 1), jnp.float32),
      ],
  )(h, degp)


def _tc_mid(acc1, gsp, dis, b1, w2p):
  m = gsp.shape[1]
  d = gsp.shape[2]
  dh = 2 * d
  dp = w2p.shape[1]
  bm = 1000

  def body(a_ref, g_ref, dis_ref, b1_ref, w2_ref, g2_ref):
    dis = dis_ref[:]
    pre = jnp.concatenate(
        [(a_ref[0] + g_ref[0]) * dis, (a_ref[1] + g_ref[1]) * dis], axis=1)
    h = jnp.maximum(pre + b1_ref[:], 0.0)
    g2_ref[:] = jnp.dot(h, w2_ref[:], preferred_element_type=jnp.float32) * dis

  return pl.pallas_call(
      body,
      grid=(m // bm,),
      in_specs=[
          pl.BlockSpec((NC, bm, d), lambda i: (0, i, 0)),
          pl.BlockSpec((NC, bm, d), lambda i: (0, i, 0)),
          pl.BlockSpec((bm, 1), lambda i: (i, 0)),
          pl.BlockSpec((1, dh), lambda i: (0, 0)),
          pl.BlockSpec((dh, dp), lambda i: (0, 0)),
      ],
      out_specs=pl.BlockSpec((bm, dp), lambda i: (i, 0)),
      out_shape=jax.ShapeDtypeStruct((m, dp), jnp.float32),
  )(acc1, gsp, dis, b1, w2p)


def _tc_final(acc2, g2, dis, b2p, d_out):
  m, dp = g2.shape
  bm = 1000

  def body(a_ref, g2_ref, dis_ref, b2_ref, out_ref):
    full = (a_ref[0] + a_ref[1] + g2_ref[:]) * dis_ref[:] + b2_ref[:]
    out_ref[:] = full[:, :d_out]

  return pl.pallas_call(
      body,
      grid=(m // bm,),
      in_specs=[
          pl.BlockSpec((NC, bm, dp), lambda i: (0, i, 0)),
          pl.BlockSpec((bm, dp), lambda i: (i, 0)),
          pl.BlockSpec((bm, 1), lambda i: (i, 0)),
          pl.BlockSpec((1, dp), lambda i: (0, 0)),
      ],
      out_specs=pl.BlockSpec((bm, d_out), lambda i: (i, 0)),
      out_shape=jax.ShapeDtypeStruct((m, d_out), jnp.float32),
  )(acc2, g2, dis, b2p)


def kernel(x, edge_index, W1, b1, W2, b2):
  n, d_in = x.shape
  d_hid = W1.shape[1]
  d_out = W2.shape[1]
  e = edge_index.shape[1]

  step = NW * EB * 8
  e_pad = ((e + step - 1) // step) * step
  r = e_pad // EB
  rw = r // NW
  n_pad = ((n + 1 + NS * 8 - 1) // (NS * 8)) * (NS * 8)

  src = edge_index[0].astype(jnp.int32)
  dst = edge_index[1].astype(jnp.int32)
  src2d = jnp.concatenate(
      [src, jnp.zeros((e_pad - e,), jnp.int32)]).reshape(r, EB)
  dst2d = jnp.concatenate(
      [dst, jnp.full((e_pad - e,), n, jnp.int32)]).reshape(r, EB)

  zeros8 = jnp.zeros((n_pad, 8), jnp.float32)
  zeros16 = jnp.zeros((n_pad, 16), jnp.float32)
  zeros64 = jnp.zeros((n_pad, d_hid // 2), jnp.float32)
  ones_blk = jnp.ones((EB, 16), jnp.float32)

  h1 = _tc_matmul(x, W1)

  deg_k = _sc_scatter_rows(16, rw, n_pad, gather=False, nbuf=4, phases=1)
  degp = deg_k(ones_blk, src2d, dst2d, zeros16)

  gsp, dis = _tc_prescale(h1, degp)

  rw1 = r // NS
  agg1_k = _sc_agg_fsplit(d_hid, rw1, n_pad, nbuf=5)
  acc1 = agg1_k(gsp, src2d, dst2d, zeros64)

  w2p = jnp.concatenate(
      [W2, jnp.zeros((d_hid, 8 - d_out), jnp.float32)], axis=1)
  b1r = b1.reshape(1, d_hid)
  g2 = _tc_mid(acc1, gsp, dis, b1r, w2p)

  agg2_k = _sc_scatter_rows(8, rw, n_pad, gather=True, nbuf=4, phases=1)
  acc2 = agg2_k(g2, src2d, dst2d, zeros8)

  b2p = jnp.concatenate(
      [b2, jnp.zeros((8 - d_out,), jnp.float32)]).reshape(1, 8)
  return _tc_final(acc2, g2, dis, b2p, d_out)

# --- scband reference (transcript-rebuilt; emitter-appended) ---
"""Pipeline reference for scband-gcn-35141422415926 (READ-ONLY COPY).

The authoritative reference and input builder live on the scoring server;
editing this copy changes nothing except your own understanding.
"""

import jax, jax.numpy as jnp
import numpy as np

N = 10000
E = 320000
D_IN = 128
D_HID = 128
D_OUT = 2


def gcn_conv(x, edge_index, W, b):
    # Faithful GCNConv: add self-loops, symmetric deg^{-1/2} normalization,
    # linear transform, scatter-add aggregation over dst nodes.
    num_nodes = x.shape[0]
    src = edge_index[0]
    dst = edge_index[1]
    loop = jnp.arange(num_nodes, dtype=src.dtype)
    src = jnp.concatenate([src, loop])
    dst = jnp.concatenate([dst, loop])
    deg = jax.ops.segment_sum(jnp.ones_like(dst, dtype=x.dtype), dst, num_segments=num_nodes)
    deg_inv_sqrt = jnp.where(deg > 0, jax.lax.rsqrt(jnp.maximum(deg, 1e-12)), 0.0)
    norm = deg_inv_sqrt[src] * deg_inv_sqrt[dst]
    h = x @ W
    msgs = jnp.take(h, src, axis=0) * norm[:, None]
    out = jax.ops.segment_sum(msgs, dst, num_segments=num_nodes)
    return out + b


def setup_inputs(seed: int = 0) -> dict:
    key = jax.random.key(seed)
    k1, k2, k3, k4, k5, k6 = jax.random.split(key, 6)
    x = jax.random.normal(k1, (N, D_IN), dtype=jnp.float32)
    edge_index = jax.random.randint(k2, (2, E), 0, N)
    W1 = jax.random.normal(k3, (D_IN, D_HID), dtype=jnp.float32) * (1.0 / np.sqrt(D_IN))
    b1 = jnp.zeros((D_HID,), dtype=jnp.float32)
    W2 = jax.random.normal(k4, (D_HID, D_OUT), dtype=jnp.float32) * (1.0 / np.sqrt(D_HID))
    b2 = jnp.zeros((D_OUT,), dtype=jnp.float32)
    return {"x": x, "edge_index": edge_index, "W1": W1, "b1": b1, "W2": W2, "b2": b2}


def reference(x, edge_index, W1, b1, W2, b2):
    h = jax.nn.relu(gcn_conv(x, edge_index, W1, b1))
    out = gcn_conv(h, edge_index, W2, b2)
    return out

if __name__ == "__main__":
    import jax
    _d = setup_inputs()
    print(jax.jit(kernel)(*tuple(_d.values())))

</pallas_src>

<mosaic_0001>
#map = affine_map<(d0, d1) -> (0, 0, 0)>
#map1 = affine_map<(d0, d1) -> (0, 0)>
module attributes {stable_mosaic.version = 14 : i64} {
  func.func @k(%arg0: i32, %arg1: i32, %arg2: memref<2x10000x64xf32, #tpu.memory_space<hbm>>, %arg3: memref<2560x128xi32, #tpu.memory_space<hbm>>, %arg4: memref<2560x128xi32, #tpu.memory_space<hbm>>, %arg5: memref<10112x64xf32, #tpu.memory_space<hbm>>, %arg6: memref<2x10112x64xf32, #tpu.memory_space<hbm>>, %arg7: memref<160x128xi32, #tpu.memory_space<vmem>>, %arg8: memref<160x128xi32, #tpu.memory_space<vmem>>, %arg9: memref<128x64xf32, #tpu.memory_space<vmem>>, %arg10: memref<128x64xf32, #tpu.memory_space<vmem>>, %arg11: memref<128x64xf32, #tpu.memory_space<vmem>>, %arg12: memref<128x64xf32, #tpu.memory_space<vmem>>, %arg13: memref<128x64xf32, #tpu.memory_space<vmem>>, %arg14: memref<!tpu.dma_semaphore, #tpu.memory_space<semaphore_mem>>, %arg15: memref<!tpu.dma_semaphore, #tpu.memory_space<semaphore_mem>>, %arg16: memref<!tpu.dma_semaphore, #tpu.memory_space<semaphore_mem>>, %arg17: memref<!tpu.dma_semaphore, #tpu.memory_space<semaphore_mem>>, %arg18: memref<!tpu.dma_semaphore, #tpu.memory_space<semaphore_mem>>, %arg19: memref<!tpu.dma_semaphore, #tpu.memory_space<semaphore_mem>>, %arg20: memref<!tpu.dma_semaphore, #tpu.memory_space<semaphore_mem>>, %arg21: memref<!tpu.dma_semaphore, #tpu.memory_space<semaphore_mem>>, %arg22: memref<!tpu.dma_semaphore, #tpu.memory_space<semaphore_mem>>, %arg23: memref<!tpu.dma_semaphore, #tpu.memory_space<semaphore_mem>>, %arg24: memref<10112x64xf32, #tpu.memory_space<vmem_shared>>) attributes {dimension_semantics = [#tpu.dimension_semantics<core_parallel>, #tpu.dimension_semantics<subcore_parallel>], iteration_bounds = array<i64: 2, 16>, scalar_prefetch = 0 : i64, scratch_operands = 18 : i64, tpu.core_type = #tpu.core_type<sc_vector_subcore>, window_params = [{transform_indices = #map}, {transform_indices = #map1}, {transform_indices = #map1}, {transform_indices = #map1}, {transform_indices = #map}]} {
    %mul3A = arith.constant 632 : i32
    %mul3A_0 = arith.muli %arg1, %mul3A : i32
    "tpu.region"() ({
      %run_scoped3A = tpu.sem_alloc : memref<!tpu.dma_semaphore, #tpu.memory_space<semaphore_mem>>
      %dma_start3A_63 = arith.constant 0 : i32
      %dma_start3A_64 = tpu.memref_slice %arg24[%mul3A_0, %dma_start3A_63] : memref<10112x64xf32, #tpu.memory_space<vmem_shared>> -> memref<632x64xf32, #tpu.memory_space<vmem_shared>>
      %dma_start3A_65 = arith.constant 0 : i32
      %dma_start3A_66 = tpu.memref_slice %arg5[%mul3A_0, %dma_start3A_65] : memref<10112x64xf32, #tpu.memory_space<hbm>> -> memref<632x64xf32, #tpu.memory_space<hbm>>
      tpu.enqueue_dma source(%dma_start3A_66 : memref<632x64xf32, #tpu.memory_space<hbm>>) target(%dma_start3A_64 : memref<632x64xf32, #tpu.memory_space<vmem_shared>>) target_semaphore(%run_scoped3A : memref<!tpu.dma_semaphore, #tpu.memory_space<semaphore_mem>>)
      %dma_wait3A = arith.constant 0 : i32
      %dma_wait3A_67 = tpu.memref_slice %arg24[%mul3A_0, %dma_wait3A] : memref<10112x64xf32, #tpu.memory_space<vmem_shared>> -> memref<632x64xf32, #tpu.memory_space<vmem_shared>>
      %dma_wait3A_68 = arith.constant 0 : i32
      %dma_wait3A_69 = tpu.memref_slice %arg5[%mul3A_0, %dma_wait3A_68] : memref<10112x64xf32, #tpu.memory_space<hbm>> -> memref<632x64xf32, #tpu.memory_space<hbm>>
      tpu.wait_dma2 semaphore(%run_scoped3A : memref<!tpu.dma_semaphore, #tpu.memory_space<semaphore_mem>>) src(%dma_wait3A_69 : memref<632x64xf32, #tpu.memory_space<hbm>>) dst(%dma_wait3A_67 : memref<632x64xf32, #tpu.memory_space<vmem_shared>>)
      tpu.yield
    }) : () -> ()
    %mul3A_1 = arith.constant 160 : i32
    %mul3A_2 = arith.muli %arg1, %mul3A_1 : i32
    "tpu.region"() ({
      %run_scoped3A = tpu.sem_alloc : memref<!tpu.dma_semaphore, #tpu.memory_space<semaphore_mem>>
      %dma_start3A_63 = arith.constant 0 : i32
      %dma_start3A_64 = tpu.memref_slice %arg3[%mul3A_2, %dma_start3A_63] : memref<2560x128xi32, #tpu.memory_space<hbm>> -> memref<160x128xi32, #tpu.memory_space<hbm>>
      %dma_start3A_65 = arith.constant 0 : i32
      %dma_start3A_66 = tpu.memref_slice %arg3[%mul3A_2, %dma_start3A_65] : memref<2560x128xi32, #tpu.memory_space<hbm>> -> memref<160x128xi32, #tpu.memory_space<hbm>>
      tpu.enqueue_dma source(%dma_start3A_66 : memref<160x128xi32, #tpu.memory_space<hbm>>) target(%arg7 : memref<160x128xi32, #tpu.memory_space<vmem>>) target_semaphore(%run_scoped3A : memref<!tpu.dma_semaphore, #tpu.memory_space<semaphore_mem>>)
      %dma_wait3A = arith.constant 0 : i32
      %dma_wait3A_67 = tpu.memref_slice %arg3[%mul3A_2, %dma_wait3A] : memref<2560x128xi32, #tpu.memory_space<hbm>> -> memref<160x128xi32, #tpu.memory_space<hbm>>
      %dma_wait3A_68 = arith.constant 0 : i32
      %dma_wait3A_69 = tpu.memref_slice %arg3[%mul3A_2, %dma_wait3A_68] : memref<2560x128xi32, #tpu.memory_space<hbm>> -> memref<160x128xi32, #tpu.memory_space<hbm>>
      tpu.wait_dma2 semaphore(%run_scoped3A : memref<!tpu.dma_semaphore, #tpu.memory_space<semaphore_mem>>) src(%dma_wait3A_69 : memref<160x128xi32, #tpu.memory_space<hbm>>) dst(%arg7 : memref<160x128xi32, #tpu.memory_space<vmem>>)
      tpu.yield
    }) : () -> ()
    "tpu.region"() ({
      %run_scoped3A = tpu.sem_alloc : memref<!tpu.dma_semaphore, #tpu.memory_space<semaphore_mem>>
      %dma_start3A_63 = arith.constant 0 : i32
      %dma_start3A_64 = tpu.memref_slice %arg4[%mul3A_2, %dma_start3A_63] : memref<2560x128xi32, #tpu.memory_space<hbm>> -> memref<160x128xi32, #tpu.memory_space<hbm>>
      %dma_start3A_65 = arith.constant 0 : i32
      %dma_start3A_66 = tpu.memref_slice %arg4[%mul3A_2, %dma_start3A_65] : memref<2560x128xi32, #tpu.memory_space<hbm>> -> memref<160x128xi32, #tpu.memory_space<hbm>>
      tpu.enqueue_dma source(%dma_start3A_66 : memref<160x128xi32, #tpu.memory_space<hbm>>) target(%arg8 : memref<160x128xi32, #tpu.memory_space<vmem>>) target_semaphore(%run_scoped3A : memref<!tpu.dma_semaphore, #tpu.memory_space<semaphore_mem>>)
      %dma_wait3A = arith.constant 0 : i32
      %dma_wait3A_67 = tpu.memref_slice %arg4[%mul3A_2, %dma_wait3A] : memref<2560x128xi32, #tpu.memory_space<hbm>> -> memref<160x128xi32, #tpu.memory_space<hbm>>
      %dma_wait3A_68 = arith.constant 0 : i32
      %dma_wait3A_69 = tpu.memref_slice %arg4[%mul3A_2, %dma_wait3A_68] : memref<2560x128xi32, #tpu.memory_space<hbm>> -> memref<160x128xi32, #tpu.memory_space<hbm>>
      tpu.wait_dma2 semaphore(%run_scoped3A : memref<!tpu.dma_semaphore, #tpu.memory_space<semaphore_mem>>) src(%dma_wait3A_69 : memref<160x128xi32, #tpu.memory_space<hbm>>) dst(%arg8 : memref<160x128xi32, #tpu.memory_space<vmem>>)
      tpu.yield
    }) : () -> ()
    %barrier3A = arith.constant 0 : index
    tpu.barrier barrier_id(%barrier3A)
    %dma_start3A = arith.constant 0 : i32
    %dma_start3A_3 = arith.constant 0 : i32
    %dma_start3A_4 = tpu.memref_slice %arg7[%dma_start3A, %dma_start3A_3] : memref<160x128xi32, #tpu.memory_space<vmem>> -> memref<1x128xi32, #tpu.memory_space<vmem>>
    %dma_start3A_5 = tpu.memref_squeeze %dma_start3A_4 : memref<1x128xi32, #tpu.memory_space<vmem>> -> memref<128xi32, #tpu.memory_space<vmem>>
    %dma_start3A_6 = arith.constant 0 : i32
    %dma_start3A_7 = arith.constant 0 : i32
    %dma_start3A_8 = tpu.memref_slice %arg2[%arg0, %dma_start3A_6, %dma_start3A_7] : memref<2x10000x64xf32, #tpu.memory_space<hbm>> -> memref<1x10000x64xf32, #tpu.memory_space<hbm>>
    %dma_start3A_9 = tpu.memref_squeeze %dma_start3A_8 : memref<1x10000x64xf32, #tpu.memory_space<hbm>> -> memref<10000x64xf32, #tpu.memory_space<hbm>>
    %dma_start3A_10 = arith.constant 0 : i32
    %dma_start3A_11 = arith.constant 0 : i32
    %dma_start3A_12 = tpu.memref_slice %dma_start3A_9[%dma_start3A_10, %dma_start3A_11] : memref<10000x64xf32, #tpu.memory_space<hbm>> -> memref<10000x64xf32, #tpu.memory_space<hbm>>
    tpu.enqueue_indirect_dma source(%dma_start3A_12 : memref<10000x64xf32, #tpu.memory_space<hbm>>) target(%arg9 : memref<128x64xf32, #tpu.memory_space<vmem>>) offsets(%dma_start3A_5 : memref<128xi32, #tpu.memory_space<vmem>>) semaphore(%arg14 : memref<!tpu.dma_semaphore, #tpu.memory_space<semaphore_mem>>)
    %dma_start3A_13 = arith.constant 1 : i32
    %dma_start3A_14 = arith.constant 0 : i32
    %dma_start3A_15 = tpu.memref_slice %arg7[%dma_start3A_13, %dma_start3A_14] : memref<160x128xi32, #tpu.memory_space<vmem>> -> memref<1x128xi32, #tpu.memory_space<vmem>>
    %dma_start3A_16 = tpu.memref_squeeze %dma_start3A_15 : memref<1x128xi32, #tpu.memory_space<vmem>> -> memref<128xi32, #tpu.memory_space<vmem>>
    %dma_start3A_17 = arith.constant 0 : i32
    %dma_start3A_18 = arith.constant 0 : i32
    %dma_start3A_19 = tpu.memref_slice %arg2[%arg0, %dma_start3A_17, %dma_start3A_18] : memref<2x10000x64xf32, #tpu.memory_space<hbm>> -> memref<1x10000x64xf32, #tpu.memory_space<hbm>>
    %dma_start3A_20 = tpu.memref_squeeze %dma_start3A_19 : memref<1x10000x64xf32, #tpu.memory_space<hbm>> -> memref<10000x64xf32, #tpu.memory_space<hbm>>
    %dma_start3A_21 = arith.constant 0 : i32
    %dma_start3A_22 = arith.constant 0 : i32
    %dma_start3A_23 = tpu.memref_slice %dma_start3A_20[%dma_start3A_21, %dma_start3A_22] : memref<10000x64xf32, #tpu.memory_space<hbm>> -> memref<10000x64xf32, #tpu.memory_space<hbm>>
    tpu.enqueue_indirect_dma source(%dma_start3A_23 : memref<10000x64xf32, #tpu.memory_space<hbm>>) target(%arg10 : memref<128x64xf32, #tpu.memory_space<vmem>>) offsets(%dma_start3A_16 : memref<128xi32, #tpu.memory_space<vmem>>) semaphore(%arg15 : memref<!tpu.dma_semaphore, #tpu.memory_space<semaphore_mem>>)
    %dma_start3A_24 = arith.constant 2 : i32
    %dma_start3A_25 = arith.constant 0 : i32
    %dma_start3A_26 = tpu.memref_slice %arg7[%dma_start3A_24, %dma_start3A_25] : memref<160x128xi32, #tpu.memory_space<vmem>> -> memref<1x128xi32, #tpu.memory_space<vmem>>
    %dma_start3A_27 = tpu.memref_squeeze %dma_start3A_26 : memref<1x128xi32, #tpu.memory_space<vmem>> -> memref<128xi32, #tpu.memory_space<vmem>>
    %dma_start3A_28 = arith.constant 0 : i32
    %dma_start3A_29 = arith.constant 0 : i32
    %dma_start3A_30 = tpu.memref_slice %arg2[%arg0, %dma_start3A_28, %dma_start3A_29] : memref<2x10000x64xf32, #tpu.memory_space<hbm>> -> memref<1x10000x64xf32, #tpu.memory_space<hbm>>
    %dma_start3A_31 = tpu.memref_squeeze %dma_start3A_30 : memref<1x10000x64xf32, #tpu.memory_space<hbm>> -> memref<10000x64xf32, #tpu.memory_space<hbm>>
    %dma_start3A_32 = arith.constant 0 : i32
    %dma_start3A_33 = arith.constant 0 : i32
    %dma_start3A_34 = tpu.memref_slice %dma_start3A_31[%dma_start3A_32, %dma_start3A_33] : memref<10000x64xf32, #tpu.memory_space<hbm>> -> memref<10000x64xf32, #tpu.memory_space<hbm>>
    tpu.enqueue_indirect_dma source(%dma_start3A_34 : memref<10000x64xf32, #tpu.memory_space<hbm>>) target(%arg11 : memref<128x64xf32, #tpu.memory_space<vmem>>) offsets(%dma_start3A_27 : memref<128xi32, #tpu.memory_space<vmem>>) semaphore(%arg16 : memref<!tpu.dma_semaphore, #tpu.memory_space<semaphore_mem>>)
    %dma_start3A_35 = arith.constant 3 : i32
    %dma_start3A_36 = arith.constant 0 : i32
    %dma_start3A_37 = tpu.memref_slice %arg7[%dma_start3A_35, %dma_start3A_36] : memref<160x128xi32, #tpu.memory_space<vmem>> -> memref<1x128xi32, #tpu.memory_space<vmem>>
    %dma_start3A_38 = tpu.memref_squeeze %dma_start3A_37 : memref<1x128xi32, #tpu.memory_space<vmem>> -> memref<128xi32, #tpu.memory_space<vmem>>
    %dma_start3A_39 = arith.constant 0 : i32
    %dma_start3A_40 = arith.constant 0 : i32
    %dma_start3A_41 = tpu.memref_slice %arg2[%arg0, %dma_start3A_39, %dma_start3A_40] : memref<2x10000x64xf32, #tpu.memory_space<hbm>> -> memref<1x10000x64xf32, #tpu.memory_space<hbm>>
    %dma_start3A_42 = tpu.memref_squeeze %dma_start3A_41 : memref<1x10000x64xf32, #tpu.memory_space<hbm>> -> memref<10000x64xf32, #tpu.memory_space<hbm>>
    %dma_start3A_43 = arith.constant 0 : i32
    %dma_start3A_44 = arith.constant 0 : i32
    %dma_start3A_45 = tpu.memref_slice %dma_start3A_42[%dma_start3A_43, %dma_start3A_44] : memref<10000x64xf32, #tpu.memory_space<hbm>> -> memref<10000x64xf32, #tpu.memory_space<hbm>>
    tpu.enqueue_indirect_dma source(%dma_start3A_45 : memref<10000x64xf32, #tpu.memory_space<hbm>>) target(%arg12 : memref<128x64xf32, #tpu.memory_space<vmem>>) offsets(%dma_start3A_38 : memref<128xi32, #tpu.memory_space<vmem>>) semaphore(%arg17 : memref<!tpu.dma_semaphore, #tpu.memory_space<semaphore_mem>>)
    %dma_start3A_46 = arith.constant 4 : i32
    %dma_start3A_47 = arith.constant 0 : i32
    %dma_start3A_48 = tpu.memref_slice %arg7[%dma_start3A_46, %dma_start3A_47] : memref<160x128xi32, #tpu.memory_space<vmem>> -> memref<1x128xi32, #tpu.memory_space<vmem>>
    %dma_start3A_49 = tpu.memref_squeeze %dma_start3A_48 : memref<1x128xi32, #tpu.memory_space<vmem>> -> memref<128xi32, #tpu.memory_space<vmem>>
    %dma_start3A_50 = arith.constant 0 : i32
    %dma_start3A_51 = arith.constant 0 : i32
    %dma_start3A_52 = tpu.memref_slice %arg2[%arg0, %dma_start3A_50, %dma_start3A_51] : memref<2x10000x64xf32, #tpu.memory_space<hbm>> -> memref<1x10000x64xf32, #tpu.memory_space<hbm>>
    %dma_start3A_53 = tpu.memref_squeeze %dma_start3A_52 : memref<1x10000x64xf32, #tpu.memory_space<hbm>> -> memref<10000x64xf32, #tpu.memory_space<hbm>>
    %dma_start3A_54 = arith.constant 0 : i32
    %dma_start3A_55 = arith.constant 0 : i32
    %dma_start3A_56 = tpu.memref_slice %dma_start3A_53[%dma_start3A_54, %dma_start3A_55] : memref<10000x64xf32, #tpu.memory_space<hbm>> -> memref<10000x64xf32, #tpu.memory_space<hbm>>
    tpu.enqueue_indirect_dma source(%dma_start3A_56 : memref<10000x64xf32, #tpu.memory_space<hbm>>) target(%arg13 : memref<128x64xf32, #tpu.memory_space<vmem>>) offsets(%dma_start3A_49 : memref<128xi32, #tpu.memory_space<vmem>>) semaphore(%arg18 : memref<!tpu.dma_semaphore, #tpu.memory_space<semaphore_mem>>)
    %scan3A = arith.constant 0 : i32
    %scan3A_57 = arith.constant 0 : i32
    %scan3A_58 = arith.constant 32 : i32
    %scan3A_59 = arith.addi %scan3A_57, %scan3A_58 : i32
    %scan3A_60 = arith.constant 1 : i32
    scf.for %scan3A_63 = %scan3A_57 to %scan3A_59 step %scan3A_60  : i32 {
      %mul3A_64 = arith.constant 5 : i32
      %mul3A_65 = arith.muli %scan3A_63, %mul3A_64 : i32
      %add3A = arith.constant 0 : i32
      %add3A_66 = arith.addi %mul3A_65, %add3A : i32
      %dma_wait3A = arith.constant 0 : i32
      %dma_wait3A_67 = tpu.memref_slice %arg7[%add3A_66, %dma_wait3A] : memref<160x128xi32, #tpu.memory_space<vmem>> -> memref<1x128xi32, #tpu.memory_space<vmem>>
      %dma_wait3A_68 = tpu.memref_squeeze %dma_wait3A_67 : memref<1x128xi32, #tpu.memory_space<vmem>> -> memref<128xi32, #tpu.memory_space<vmem>>
      %dma_wait3A_69 = arith.constant 0 : i32
      %dma_wait3A_70 = arith.constant 0 : i32
      %dma_wait3A_71 = tpu.memref_slice %arg2[%arg0, %dma_wait3A_69, %dma_wait3A_70] : memref<2x10000x64xf32, #tpu.memory_space<hbm>> -> memref<1x10000x64xf32, #tpu.memory_space<hbm>>
      %dma_wait3A_72 = tpu.memref_squeeze %dma_wait3A_71 : memref<1x10000x64xf32, #tpu.memory_space<hbm>> -> memref<10000x64xf32, #tpu.memory_space<hbm>>
      %dma_wait3A_73 = arith.constant 0 : i32
      %dma_wait3A_74 = arith.constant 0 : i32
      %dma_wait3A_75 = tpu.memref_slice %dma_wait3A_72[%dma_wait3A_73, %dma_wait3A_74] : memref<10000x64xf32, #tpu.memory_space<hbm>> -> memref<10000x64xf32, #tpu.memory_space<hbm>>
      tpu.wait_indirect_dma semaphore(%arg14 : memref<!tpu.dma_semaphore, #tpu.memory_space<semaphore_mem>>) src(%dma_wait3A_75 : memref<10000x64xf32, #tpu.memory_space<hbm>>) dst(%arg9 : memref<128x64xf32, #tpu.memory_space<vmem>>)
      %dma_start3A_76 = arith.constant 0 : i32
      %dma_start3A_77 = tpu.memref_slice %arg8[%add3A_66, %dma_start3A_76] : memref<160x128xi32, #tpu.memory_space<vmem>> -> memref<1x128xi32, #tpu.memory_space<vmem>>
      %dma_start3A_78 = tpu.memref_squeeze %dma_start3A_77 : memref<1x128xi32, #tpu.memory_space<vmem>> -> memref<128xi32, #tpu.memory_space<vmem>>
      %dma_start3A_79 = arith.constant 0 : i32
      %dma_start3A_80 = arith.constant 0 : i32
      %dma_start3A_81 = tpu.memref_slice %arg24[%dma_start3A_79, %dma_start3A_80] : memref<10112x64xf32, #tpu.memory_space<vmem_shared>> -> memref<10112x64xf32, #tpu.memory_space<vmem_shared>>
      tpu.enqueue_indirect_dma source(%arg9 : memref<128x64xf32, #tpu.memory_space<vmem>>) target(%dma_start3A_81 : memref<10112x64xf32, #tpu.memory_space<vmem_shared>>) offsets(%dma_start3A_78 : memref<128xi32, #tpu.memory_space<vmem>>) semaphore(%arg19 : memref<!tpu.dma_semaphore, #tpu.memory_space<semaphore_mem>>) {add = true}
      %add3A_82 = arith.constant 1 : i32
      %add3A_83 = arith.addi %mul3A_65, %add3A_82 : i32
      %dma_wait3A_84 = arith.constant 0 : i32
      %dma_wait3A_85 = tpu.memref_slice %arg7[%add3A_83, %dma_wait3A_84] : memref<160x128xi32, #tpu.memory_space<vmem>> -> memref<1x128xi32, #tpu.memory_space<vmem>>
      %dma_wait3A_86 = tpu.memref_squeeze %dma_wait3A_85 : memref<1x128xi32, #tpu.memory_space<vmem>> -> memref<128xi32, #tpu.memory_space<vmem>>
      %dma_wait3A_87 = arith.constant 0 : i32
      %dma_wait3A_88 = arith.constant 0 : i32
      %dma_wait3A_89 = tpu.memref_slice %arg2[%arg0, %dma_wait3A_87, %dma_wait3A_88] : memref<2x10000x64xf32, #tpu.memory_space<hbm>> -> memref<1x10000x64xf32, #tpu.memory_space<hbm>>
      %dma_wait3A_90 = tpu.memref_squeeze %dma_wait3A_89 : memref<1x10000x64xf32, #tpu.memory_space<hbm>> -> memref<10000x64xf32, #tpu.memory_space<hbm>>
      %dma_wait3A_91 = arith.constant 0 : i32
      %dma_wait3A_92 = arith.constant 0 : i32
      %dma_wait3A_93 = tpu.memref_slice %dma_wait3A_90[%dma_wait3A_91, %dma_wait3A_92] : memref<10000x64xf32, #tpu.memory_space<hbm>> -> memref<10000x64xf32, #tpu.memory_space<hbm>>
      tpu.wait_indirect_dma semaphore(%arg15 : memref<!tpu.dma_semaphore, #tpu.memory_space<semaphore_mem>>) src(%dma_wait3A_93 : memref<10000x64xf32, #tpu.memory_space<hbm>>) dst(%arg10 : memref<128x64xf32, #tpu.memory_space<vmem>>)
      %dma_start3A_94 = arith.constant 0 : i32
      %dma_start3A_95 = tpu.memref_slice %arg8[%add3A_83, %dma_start3A_94] : memref<160x128xi32, #tpu.memory_space<vmem>> -> memref<1x128xi32, #tpu.memory_space<vmem>>
      %dma_start3A_96 = tpu.memref_squeeze %dma_start3A_95 : memref<1x128xi32, #tpu.memory_space<vmem>> -> memref<128xi32, #tpu.memory_space<vmem>>
      %dma_start3A_97 = arith.constant 0 : i32
      %dma_start3A_98 = arith.constant 0 : i32
      %dma_start3A_99 = tpu.memref_slice %arg24[%dma_start3A_97, %dma_start3A_98] : memref<10112x64xf32, #tpu.memory_space<vmem_shared>> -> memref<10112x64xf32, #tpu.memory_space<vmem_shared>>
      tpu.enqueue_indirect_dma source(%arg10 : memref<128x64xf32, #tpu.memory_space<vmem>>) target(%dma_start3A_99 : memref<10112x64xf32, #tpu.memory_space<vmem_shared>>) offsets(%dma_start3A_96 : memref<128xi32, #tpu.memory_space<vmem>>) semaphore(%arg20 : memref<!tpu.dma_semaphore, #tpu.memory_space<semaphore_mem>>) {add = true}
      %add3A_100 = arith.constant 2 : i32
      %add3A_101 = arith.addi %mul3A_65, %add3A_100 : i32
      %dma_wait3A_102 = arith.constant 0 : i32
      %dma_wait3A_103 = tpu.memref_slice %arg7[%add3A_101, %dma_wait3A_102] : memref<160x128xi32, #tpu.memory_space<vmem>> -> memref<1x128xi32, #tpu.memory_space<vmem>>
      %dma_wait3A_104 = tpu.memref_squeeze %dma_wait3A_103 : memref<1x128xi32, #tpu.memory_space<vmem>> -> memref<128xi32, #tpu.memory_space<vmem>>
      %dma_wait3A_105 = arith.constant 0 : i32
      %dma_wait3A_106 = arith.constant 0 : i32
      %dma_wait3A_107 = tpu.memref_slice %arg2[%arg0, %dma_wait3A_105, %dma_wait3A_106] : memref<2x10000x64xf32, #tpu.memory_space<hbm>> -> memref<1x10000x64xf32, #tpu.memory_space<hbm>>
      %dma_wait3A_108 = tpu.memref_squeeze %dma_wait3A_107 : memref<1x10000x64xf32, #tpu.memory_space<hbm>> -> memref<10000x64xf32, #tpu.memory_space<hbm>>
      %dma_wait3A_109 = arith.constant 0 : i32
      %dma_wait3A_110 = arith.constant 0 : i32
      %dma_wait3A_111 = tpu.memref_slice %dma_wait3A_108[%dma_wait3A_109, %dma_wait3A_110] : memref<10000x64xf32, #tpu.memory_space<hbm>> -> memref<10000x64xf32, #tpu.memory_space<hbm>>
      tpu.wait_indirect_dma semaphore(%arg16 : memref<!tpu.dma_semaphore, #tpu.memory_space<semaphore_mem>>) src(%dma_wait3A_111 : memref<10000x64xf32, #tpu.memory_space<hbm>>) dst(%arg11 : memref<128x64xf32, #tpu.memory_space<vmem>>)
      %dma_start3A_112 = arith.constant 0 : i32
      %dma_start3A_113 = tpu.memref_slice %arg8[%add3A_101, %dma_start3A_112] : memref<160x128xi32, #tpu.memory_space<vmem>> -> memref<1x128xi32, #tpu.memory_space<vmem>>
      %dma_start3A_114 = tpu.memref_squeeze %dma_start3A_113 : memref<1x128xi32, #tpu.memory_space<vmem>> -> memref<128xi32, #tpu.memory_space<vmem>>
      %dma_start3A_115 = arith.constant 0 : i32
      %dma_start3A_116 = arith.constant 0 : i32
      %dma_start3A_117 = tpu.memref_slice %arg24[%dma_start3A_115, %dma_start3A_116] : memref<10112x64xf32, #tpu.memory_space<vmem_shared>> -> memref<10112x64xf32, #tpu.memory_space<vmem_shared>>
      tpu.enqueue_indirect_dma source(%arg11 : memref<128x64xf32, #tpu.memory_space<vmem>>) target(%dma_start3A_117 : memref<10112x64xf32, #tpu.memory_space<vmem_shared>>) offsets(%dma_start3A_114 : memref<128xi32, #tpu.memory_space<vmem>>) semaphore(%arg21 : memref<!tpu.dma_semaphore, #tpu.memory_space<semaphore_mem>>) {add = true}
      %add3A_118 = arith.constant 3 : i32
      %add3A_119 = arith.addi %mul3A_65, %add3A_118 : i32
      %dma_wait3A_120 = arith.constant 0 : i32
      %dma_wait3A_121 = tpu.memref_slice %arg7[%add3A_119, %dma_wait3A_120] : memref<160x128xi32, #tpu.memory_space<vmem>> -> memref<1x128xi32, #tpu.memory_space<vmem>>
      %dma_wait3A_122 = tpu.memref_squeeze %dma_wait3A_121 : memref<1x128xi32, #tpu.memory_space<vmem>> -> memref<128xi32, #tpu.memory_space<vmem>>
      %dma_wait3A_123 = arith.constant 0 : i32
      %dma_wait3A_124 = arith.constant 0 : i32
      %dma_wait3A_125 = tpu.memref_slice %arg2[%arg0, %dma_wait3A_123, %dma_wait3A_124] : memref<2x10000x64xf32, #tpu.memory_space<hbm>> -> memref<1x10000x64xf32, #tpu.memory_space<hbm>>
      %dma_wait3A_126 = tpu.memref_squeeze %dma_wait3A_125 : memref<1x10000x64xf32, #tpu.memory_space<hbm>> -> memref<10000x64xf32, #tpu.memory_space<hbm>>
      %dma_wait3A_127 = arith.constant 0 : i32
      %dma_wait3A_128 = arith.constant 0 : i32
      %dma_wait3A_129 = tpu.memref_slice %dma_wait3A_126[%dma_wait3A_127, %dma_wait3A_128] : memref<10000x64xf32, #tpu.memory_space<hbm>> -> memref<10000x64xf32, #tpu.memory_space<hbm>>
      tpu.wait_indirect_dma semaphore(%arg17 : memref<!tpu.dma_semaphore, #tpu.memory_space<semaphore_mem>>) src(%dma_wait3A_129 : memref<10000x64xf32, #tpu.memory_space<hbm>>) dst(%arg12 : memref<128x64xf32, #tpu.memory_space<vmem>>)
      %dma_start3A_130 = arith.constant 0 : i32
      %dma_start3A_131 = tpu.memref_slice %arg8[%add3A_119, %dma_start3A_130] : memref<160x128xi32, #tpu.memory_space<vmem>> -> memref<1x128xi32, #tpu.memory_space<vmem>>
      %dma_start3A_132 = tpu.memref_squeeze %dma_start3A_131 : memref<1x128xi32, #tpu.memory_space<vmem>> -> memref<128xi32, #tpu.memory_space<vmem>>
      %dma_start3A_133 = arith.constant 0 : i32
      %dma_start3A_134 = arith.constant 0 : i32
      %dma_start3A_135 = tpu.memref_slice %arg24[%dma_start3A_133, %dma_start3A_134] : memref<10112x64xf32, #tpu.memory_space<vmem_shared>> -> memref<10112x64xf32, #tpu.memory_space<vmem_shared>>
      tpu.enqueue_indirect_dma source(%arg12 : memref<128x64xf32, #tpu.memory_space<vmem>>) target(%dma_start3A_135 : memref<10112x64xf32, #tpu.memory_space<vmem_shared>>) offsets(%dma_start3A_132 : memref<128xi32, #tpu.memory_space<vmem>>) semaphore(%arg22 : memref<!tpu.dma_semaphore, #tpu.memory_space<semaphore_mem>>) {add = true}
      %add3A_136 = arith.constant 4 : i32
      %add3A_137 = arith.addi %mul3A_65, %add3A_136 : i32
      %dma_wait3A_138 = arith.constant 0 : i32
      %dma_wait3A_139 = tpu.memref_slice %arg7[%add3A_137, %dma_wait3A_138] : memref<160x128xi32, #tpu.memory_space<vmem>> -> memref<1x128xi32, #tpu.memory_space<vmem>>
      %dma_wait3A_140 = tpu.memref_squeeze %dma_wait3A_139 : memref<1x128xi32, #tpu.memory_space<vmem>> -> memref<128xi32, #tpu.memory_space<vmem>>
      %dma_wait3A_141 = arith.constant 0 : i32
      %dma_wait3A_142 = arith.constant 0 : i32
      %dma_wait3A_143 = tpu.memref_slice %arg2[%arg0, %dma_wait3A_141, %dma_wait3A_142] : memref<2x10000x64xf32, #tpu.memory_space<hbm>> -> memref<1x10000x64xf32, #tpu.memory_space<hbm>>
      %dma_wait3A_144 = tpu.memref_squeeze %dma_wait3A_143 : memref<1x10000x64xf32, #tpu.memory_space<hbm>> -> memref<10000x64xf32, #tpu.memory_space<hbm>>
      %dma_wait3A_145 = arith.constant 0 : i32
      %dma_wait3A_146 = arith.constant 0 : i32
      %dma_wait3A_147 = tpu.memref_slice %dma_wait3A_144[%dma_wait3A_145, %dma_wait3A_146] : memref<10000x64xf32, #tpu.memory_space<hbm>> -> memref<10000x64xf32, #tpu.memory_space<hbm>>
      tpu.wait_indirect_dma semaphore(%arg18 : memref<!tpu.dma_semaphore, #tpu.memory_space<semaphore_mem>>) src(%dma_wait3A_147 : memref<10000x64xf32, #tpu.memory_space<hbm>>) dst(%arg13 : memref<128x64xf32, #tpu.memory_space<vmem>>)
      %dma_start3A_148 = arith.constant 0 : i32
      %dma_start3A_149 = tpu.memref_slice %arg8[%add3A_137, %dma_start3A_148] : memref<160x128xi32, #tpu.memory_space<vmem>> -> memref<1x128xi32, #tpu.memory_space<vmem>>
      %dma_start3A_150 = tpu.memref_squeeze %dma_start3A_149 : memref<1x128xi32, #tpu.memory_space<vmem>> -> memref<128xi32, #tpu.memory_space<vmem>>
      %dma_start3A_151 = arith.constant 0 : i32
      %dma_start3A_152 = arith.constant 0 : i32
      %dma_start3A_153 = tpu.memref_slice %arg24[%dma_start3A_151, %dma_start3A_152] : memref<10112x64xf32, #tpu.memory_space<vmem_shared>> -> memref<10112x64xf32, #tpu.memory_space<vmem_shared>>
      tpu.enqueue_indirect_dma source(%arg13 : memref<128x64xf32, #tpu.memory_space<vmem>>) target(%dma_start3A_153 : memref<10112x64xf32, #tpu.memory_space<vmem_shared>>) offsets(%dma_start3A_150 : memref<128xi32, #tpu.memory_space<vmem>>) semaphore(%arg23 : memref<!tpu.dma_semaphore, #tpu.memory_space<semaphore_mem>>) {add = true}
      %add3A_154 = arith.constant 0 : i32
      %add3A_155 = arith.addi %mul3A_65, %add3A_154 : i32
      %dma_wait3A_156 = arith.constant 0 : i32
      %dma_wait3A_157 = tpu.memref_slice %arg8[%add3A_155, %dma_wait3A_156] : memref<160x128xi32, #tpu.memory_space<vmem>> -> memref<1x128xi32, #tpu.memory_space<vmem>>
      %dma_wait3A_158 = tpu.memref_squeeze %dma_wait3A_157 : memref<1x128xi32, #tpu.memory_space<vmem>> -> memref<128xi32, #tpu.memory_space<vmem>>
      %dma_wait3A_159 = arith.constant 0 : i32
      %dma_wait3A_160 = arith.constant 0 : i32
      %dma_wait3A_161 = tpu.memref_slice %arg24[%dma_wait3A_159, %dma_wait3A_160] : memref<10112x64xf32, #tpu.memory_space<vmem_shared>> -> memref<10112x64xf32, #tpu.memory_space<vmem_shared>>
      tpu.wait_indirect_dma semaphore(%arg19 : memref<!tpu.dma_semaphore, #tpu.memory_space<semaphore_mem>>) src(%arg9 : memref<128x64xf32, #tpu.memory_space<vmem>>) dst(%dma_wait3A_161 : memref<10112x64xf32, #tpu.memory_space<vmem_shared>>)
      %add3A_162 = arith.constant 5 : i32
      %add3A_163 = arith.addi %add3A_155, %add3A_162 : i32
      %lt3A = arith.constant 160 : i32
      %lt3A_164 = arith.cmpi slt, %add3A_163, %lt3A : i32
      %convert_element_type3A = arith.extui %lt3A_164 : i1 to i32
      %cond3A = arith.constant 0 : i32
      %cond3A_165 = arith.cmpi ne, %convert_element_type3A, %cond3A : i32
      scf.if %cond3A_165 {
        %add3A_226 = arith.constant 5 : i32
        %add3A_227 = arith.addi %add3A_155, %add3A_226 : i32
        %dma_start3A_228 = arith.constant 0 : i32
        %dma_start3A_229 = tpu.memref_slice %arg7[%add3A_227, %dma_start3A_228] : memref<160x128xi32, #tpu.memory_space<vmem>> -> memref<1x128xi32, #tpu.memory_space<vmem>>
        %dma_start3A_230 = tpu.memref_squeeze %dma_start3A_229 : memref<1x128xi32, #tpu.memory_space<vmem>> -> memref<128xi32, #tpu.memory_space<vmem>>
        %dma_start3A_231 = arith.constant 0 : i32
        %dma_start3A_232 = arith.constant 0 : i32
        %dma_start3A_233 = tpu.memref_slice %arg2[%arg0, %dma_start3A_231, %dma_start3A_232] : memref<2x10000x64xf32, #tpu.memory_space<hbm>> -> memref<1x10000x64xf32, #tpu.memory_space<hbm>>
        %dma_start3A_234 = tpu.memref_squeeze %dma_start3A_233 : memref<1x10000x64xf32, #tpu.memory_space<hbm>> -> memref<10000x64xf32, #tpu.memory_space<hbm>>
        %dma_start3A_235 = arith.constant 0 : i32
        %dma_start3A_236 = arith.constant 0 : i32
        %dma_start3A_237 = tpu.memref_slice %dma_start3A_234[%dma_start3A_235, %dma_start3A_236] : memref<10000x64xf32, #tpu.memory_space<hbm>> -> memref<10000x64xf32, #tpu.memory_space<hbm>>
        tpu.enqueue_indirect_dma source(%dma_start3A_237 : memref<10000x64xf32, #tpu.memory_space<hbm>>) target(%arg9 : memref<128x64xf32, #tpu.memory_space<vmem>>) offsets(%dma_start3A_230 : memref<128xi32, #tpu.memory_space<vmem>>) semaphore(%arg14 : memref<!tpu.dma_semaphore, #tpu.memory_space<semaphore_mem>>)
      } else {
      }
      %add3A_166 = arith.constant 1 : i32
      %add3A_167 = arith.addi %mul3A_65, %add3A_166 : i32
      %dma_wait3A_168 = arith.constant 0 : i32
      %dma_wait3A_169 = tpu.memref_slice %arg8[%add3A_167, %dma_wait3A_168] : memref<160x128xi32, #tpu.memory_space<vmem>> -> memref<1x128xi32, #tpu.memory_space<vmem>>
      %dma_wait3A_170 = tpu.memref_squeeze %dma_wait3A_169 : memref<1x128xi32, #tpu.memory_space<vmem>> -> memref<128xi32, #tpu.memory_space<vmem>>
      %dma_wait3A_171 = arith.constant 0 : i32
      %dma_wait3A_172 = arith.constant 0 : i32
      %dma_wait3A_173 = tpu.memref_slice %arg24[%dma_wait3A_171, %dma_wait3A_172] : memref<10112x64xf32, #tpu.memory_space<vmem_shared>> -> memref<10112x64xf32, #tpu.memory_space<vmem_shared>>
      tpu.wait_indirect_dma semaphore(%arg20 : memref<!tpu.dma_semaphore, #tpu.memory_space<semaphore_mem>>) src(%arg10 : memref<128x64xf32, #tpu.memory_space<vmem>>) dst(%dma_wait3A_173 : memref<10112x64xf32, #tpu.memory_space<vmem_shared>>)
      %add3A_174 = arith.constant 5 : i32
      %add3A_175 = arith.addi %add3A_167, %add3A_174 : i32
      %lt3A_176 = arith.constant 160 : i32
      %lt3A_177 = arith.cmpi slt, %add3A_175, %lt3A_176 : i32
      %convert_element_type3A_178 = arith.extui %lt3A_177 : i1 to i32
      %cond3A_179 = arith.constant 0 : i32
      %cond3A_180 = arith.cmpi ne, %convert_element_type3A_178, %cond3A_179 : i32
      scf.if %cond3A_180 {
        %add3A_226 = arith.constant 5 : i32
        %add3A_227 = arith.addi %add3A_167, %add3A_226 : i32
        %dma_start3A_228 = arith.constant 0 : i32
        %dma_start3A_229 = tpu.memref_slice %arg7[%add3A_227, %dma_start3A_228] : memref<160x128xi32, #tpu.memory_space<vmem>> -> memref<1x128xi32, #tpu.memory_space<vmem>>
        %dma_start3A_230 = tpu.memref_squeeze %dma_start3A_229 : memref<1x128xi32, #tpu.memory_space<vmem>> -> memref<128xi32, #tpu.memory_space<vmem>>
        %dma_start3A_231 = arith.constant 0 : i32
        %dma_start3A_232 = arith.constant 0 : i32
        %dma_start3A_233 = tpu.memref_slice %arg2[%arg0, %dma_start3A_231, %dma_start3A_232] : memref<2x10000x64xf32, #tpu.memory_space<hbm>> -> memref<1x10000x64xf32, #tpu.memory_space<hbm>>
        %dma_start3A_234 = tpu.memref_squeeze %dma_start3A_233 : memref<1x10000x64xf32, #tpu.memory_space<hbm>> -> memref<10000x64xf32, #tpu.memory_space<hbm>>
        %dma_start3A_235 = arith.constant 0 : i32
        %dma_start3A_236 = arith.constant 0 : i32
        %dma_start3A_237 = tpu.memref_slice %dma_start3A_234[%dma_start3A_235, %dma_start3A_236] : memref<10000x64xf32, #tpu.memory_space<hbm>> -> memref<10000x64xf32, #tpu.memory_space<hbm>>
        tpu.enqueue_indirect_dma source(%dma_start3A_237 : memref<10000x64xf32, #tpu.memory_space<hbm>>) target(%arg10 : memref<128x64xf32, #tpu.memory_space<vmem>>) offsets(%dma_start3A_230 : memref<128xi32, #tpu.memory_space<vmem>>) semaphore(%arg15 : memref<!tpu.dma_semaphore, #tpu.memory_space<semaphore_mem>>)
      } else {
      }
      %add3A_181 = arith.constant 2 : i32
      %add3A_182 = arith.addi %mul3A_65, %add3A_181 : i32
      %dma_wait3A_183 = arith.constant 0 : i32
      %dma_wait3A_184 = tpu.memref_slice %arg8[%add3A_182, %dma_wait3A_183] : memref<160x128xi32, #tpu.memory_space<vmem>> -> memref<1x128xi32, #tpu.memory_space<vmem>>
      %dma_wait3A_185 = tpu.memref_squeeze %dma_wait3A_184 : memref<1x128xi32, #tpu.memory_space<vmem>> -> memref<128xi32, #tpu.memory_space<vmem>>
      %dma_wait3A_186 = arith.constant 0 : i32
      %dma_wait3A_187 = arith.constant 0 : i32
      %dma_wait3A_188 = tpu.memref_slice %arg24[%dma_wait3A_186, %dma_wait3A_187] : memref<10112x64xf32, #tpu.memory_space<vmem_shared>> -> memref<10112x64xf32, #tpu.memory_space<vmem_shared>>
      tpu.wait_indirect_dma semaphore(%arg21 : memref<!tpu.dma_semaphore, #tpu.memory_space<semaphore_mem>>) src(%arg11 : memref<128x64xf32, #tpu.memory_space<vmem>>) dst(%dma_wait3A_188 : memref<10112x64xf32, #tpu.memory_space<vmem_shared>>)
      %add3A_189 = arith.constant 5 : i32
      %add3A_190 = arith.addi %add3A_182, %add3A_189 : i32
      %lt3A_191 = arith.constant 160 : i32
      %lt3A_192 = arith.cmpi slt, %add3A_190, %lt3A_191 : i32
      %convert_element_type3A_193 = arith.extui %lt3A_192 : i1 to i32
      %cond3A_194 = arith.constant 0 : i32
      %cond3A_195 = arith.cmpi ne, %convert_element_type3A_193, %cond3A_194 : i32
      scf.if %cond3A_195 {
        %add3A_226 = arith.constant 5 : i32
        %add3A_227 = arith.addi %add3A_182, %add3A_226 : i32
        %dma_start3A_228 = arith.constant 0 : i32
        %dma_start3A_229 = tpu.memref_slice %arg7[%add3A_227, %dma_start3A_228] : memref<160x128xi32, #tpu.memory_space<vmem>> -> memref<1x128xi32, #tpu.memory_space<vmem>>
        %dma_start3A_230 = tpu.memref_squeeze %dma_start3A_229 : memref<1x128xi32, #tpu.memory_space<vmem>> -> memref<128xi32, #tpu.memory_space<vmem>>
        %dma_start3A_231 = arith.constant 0 : i32
        %dma_start3A_232 = arith.constant 0 : i32
        %dma_start3A_233 = tpu.memref_slice %arg2[%arg0, %dma_start3A_231, %dma_start3A_232] : memref<2x10000x64xf32, #tpu.memory_space<hbm>> -> memref<1x10000x64xf32, #tpu.memory_space<hbm>>
        %dma_start3A_234 = tpu.memref_squeeze %dma_start3A_233 : memref<1x10000x64xf32, #tpu.memory_space<hbm>> -> memref<10000x64xf32, #tpu.memory_space<hbm>>
        %dma_start3A_235 = arith.constant 0 : i32
        %dma_start3A_236 = arith.constant 0 : i32
        %dma_start3A_237 = tpu.memref_slice %dma_start3A_234[%dma_start3A_235, %dma_start3A_236] : memref<10000x64xf32, #tpu.memory_space<hbm>> -> memref<10000x64xf32, #tpu.memory_space<hbm>>
        tpu.enqueue_indirect_dma source(%dma_start3A_237 : memref<10000x64xf32, #tpu.memory_space<hbm>>) target(%arg11 : memref<128x64xf32, #tpu.memory_space<vmem>>) offsets(%dma_start3A_230 : memref<128xi32, #tpu.memory_space<vmem>>) semaphore(%arg16 : memref<!tpu.dma_semaphore, #tpu.memory_space<semaphore_mem>>)
      } else {
      }
      %add3A_196 = arith.constant 3 : i32
      %add3A_197 = arith.addi %mul3A_65, %add3A_196 : i32
      %dma_wait3A_198 = arith.constant 0 : i32
      %dma_wait3A_199 = tpu.memref_slice %arg8[%add3A_197, %dma_wait3A_198] : memref<160x128xi32, #tpu.memory_space<vmem>> -> memref<1x128xi32, #tpu.memory_space<vmem>>
      %dma_wait3A_200 = tpu.memref_squeeze %dma_wait3A_199 : memref<1x128xi32, #tpu.memory_space<vmem>> -> memref<128xi32, #tpu.memory_space<vmem>>
      %dma_wait3A_201 = arith.constant 0 : i32
      %dma_wait3A_202 = arith.constant 0 : i32
      %dma_wait3A_203 = tpu.memref_slice %arg24[%dma_wait3A_201, %dma_wait3A_202] : memref<10112x64xf32, #tpu.memory_space<vmem_shared>> -> memref<10112x64xf32, #tpu.memory_space<vmem_shared>>
      tpu.wait_indirect_dma semaphore(%arg22 : memref<!tpu.dma_semaphore, #tpu.memory_space<semaphore_mem>>) src(%arg12 : memref<128x64xf32, #tpu.memory_space<vmem>>) dst(%dma_wait3A_203 : memref<10112x64xf32, #tpu.memory_space<vmem_shared>>)
      %add3A_204 = arith.constant 5 : i32
      %add3A_205 = arith.addi %add3A_197, %add3A_204 : i32
      %lt3A_206 = arith.constant 160 : i32
      %lt3A_207 = arith.cmpi slt, %add3A_205, %lt3A_206 : i32
      %convert_element_type3A_208 = arith.extui %lt3A_207 : i1 to i32
      %cond3A_209 = arith.constant 0 : i32
      %cond3A_210 = arith.cmpi ne, %convert_element_type3A_208, %cond3A_209 : i32
      scf.if %cond3A_210 {
        %add3A_226 = arith.constant 5 : i32
        %add3A_227 = arith.addi %add3A_197, %add3A_226 : i32
        %dma_start3A_228 = arith.constant 0 : i32
        %dma_start3A_229 = tpu.memref_slice %arg7[%add3A_227, %dma_start3A_228] : memref<160x128xi32, #tpu.memory_space<vmem>> -> memref<1x128xi32, #tpu.memory_space<vmem>>
        %dma_start3A_230 = tpu.memref_squeeze %dma_start3A_229 : memref<1x128xi32, #tpu.memory_space<vmem>> -> memref<128xi32, #tpu.memory_space<vmem>>
        %dma_start3A_231 = arith.constant 0 : i32
        %dma_start3A_232 = arith.constant 0 : i32
        %dma_start3A_233 = tpu.memref_slice %arg2[%arg0, %dma_start3A_231, %dma_start3A_232] : memref<2x10000x64xf32, #tpu.memory_space<hbm>> -> memref<1x10000x64xf32, #tpu.memory_space<hbm>>
        %dma_start3A_234 = tpu.memref_squeeze %dma_start3A_233 : memref<1x10000x64xf32, #tpu.memory_space<hbm>> -> memref<10000x64xf32, #tpu.memory_space<hbm>>
        %dma_start3A_235 = arith.constant 0 : i32
        %dma_start3A_236 = arith.constant 0 : i32
        %dma_start3A_237 = tpu.memref_slice %dma_start3A_234[%dma_start3A_235, %dma_start3A_236] : memref<10000x64xf32, #tpu.memory_space<hbm>> -> memref<10000x64xf32, #tpu.memory_space<hbm>>
        tpu.enqueue_indirect_dma source(%dma_start3A_237 : memref<10000x64xf32, #tpu.memory_space<hbm>>) target(%arg12 : memref<128x64xf32, #tpu.memory_space<vmem>>) offsets(%dma_start3A_230 : memref<128xi32, #tpu.memory_space<vmem>>) semaphore(%arg17 : memref<!tpu.dma_semaphore, #tpu.memory_space<semaphore_mem>>)
      } else {
      }
      %add3A_211 = arith.constant 4 : i32
      %add3A_212 = arith.addi %mul3A_65, %add3A_211 : i32
      %dma_wait3A_213 = arith.constant 0 : i32
      %dma_wait3A_214 = tpu.memref_slice %arg8[%add3A_212, %dma_wait3A_213] : memref<160x128xi32, #tpu.memory_space<vmem>> -> memref<1x128xi32, #tpu.memory_space<vmem>>
      %dma_wait3A_215 = tpu.memref_squeeze %dma_wait3A_214 : memref<1x128xi32, #tpu.memory_space<vmem>> -> memref<128xi32, #tpu.memory_space<vmem>>
      %dma_wait3A_216 = arith.constant 0 : i32
      %dma_wait3A_217 = arith.constant 0 : i32
      %dma_wait3A_218 = tpu.memref_slice %arg24[%dma_wait3A_216, %dma_wait3A_217] : memref<10112x64xf32, #tpu.memory_space<vmem_shared>> -> memref<10112x64xf32, #tpu.memory_space<vmem_shared>>
      tpu.wait_indirect_dma semaphore(%arg23 : memref<!tpu.dma_semaphore, #tpu.memory_space<semaphore_mem>>) src(%arg13 : memref<128x64xf32, #tpu.memory_space<vmem>>) dst(%dma_wait3A_218 : memref<10112x64xf32, #tpu.memory_space<vmem_shared>>)
      %add3A_219 = arith.constant 5 : i32
      %add3A_220 = arith.addi %add3A_212, %add3A_219 : i32
      %lt3A_221 = arith.constant 160 : i32
      %lt3A_222 = arith.cmpi slt, %add3A_220, %lt3A_221 : i32
      %convert_element_type3A_223 = arith.extui %lt3A_222 : i1 to i32
      %cond3A_224 = arith.constant 0 : i32
      %cond3A_225 = arith.cmpi ne, %convert_element_type3A_223, %cond3A_224 : i32
      scf.if %cond3A_225 {
        %add3A_226 = arith.constant 5 : i32
        %add3A_227 = arith.addi %add3A_212, %add3A_226 : i32
        %dma_start3A_228 = arith.constant 0 : i32
        %dma_start3A_229 = tpu.memref_slice %arg7[%add3A_227, %dma_start3A_228] : memref<160x128xi32, #tpu.memory_space<vmem>> -> memref<1x128xi32, #tpu.memory_space<vmem>>
        %dma_start3A_230 = tpu.memref_squeeze %dma_start3A_229 : memref<1x128xi32, #tpu.memory_space<vmem>> -> memref<128xi32, #tpu.memory_space<vmem>>
        %dma_start3A_231 = arith.constant 0 : i32
        %dma_start3A_232 = arith.constant 0 : i32
        %dma_start3A_233 = tpu.memref_slice %arg2[%arg0, %dma_start3A_231, %dma_start3A_232] : memref<2x10000x64xf32, #tpu.memory_space<hbm>> -> memref<1x10000x64xf32, #tpu.memory_space<hbm>>
        %dma_start3A_234 = tpu.memref_squeeze %dma_start3A_233 : memref<1x10000x64xf32, #tpu.memory_space<hbm>> -> memref<10000x64xf32, #tpu.memory_space<hbm>>
        %dma_start3A_235 = arith.constant 0 : i32
        %dma_start3A_236 = arith.constant 0 : i32
        %dma_start3A_237 = tpu.memref_slice %dma_start3A_234[%dma_start3A_235, %dma_start3A_236] : memref<10000x64xf32, #tpu.memory_space<hbm>> -> memref<10000x64xf32, #tpu.memory_space<hbm>>
        tpu.enqueue_indirect_dma source(%dma_start3A_237 : memref<10000x64xf32, #tpu.memory_space<hbm>>) target(%arg13 : memref<128x64xf32, #tpu.memory_space<vmem>>) offsets(%dma_start3A_230 : memref<128xi32, #tpu.memory_space<vmem>>) semaphore(%arg18 : memref<!tpu.dma_semaphore, #tpu.memory_space<semaphore_mem>>)
      } else {
      }
    }
    %scan3A_61 = arith.constant 32 : i32
    %barrier3A_62 = arith.constant 0 : index
    tpu.barrier barrier_id(%barrier3A_62)
    "tpu.region"() ({
      %run_scoped3A = tpu.sem_alloc : memref<!tpu.dma_semaphore, #tpu.memory_space<semaphore_mem>>
      %dma_start3A_63 = arith.constant 0 : i32
      %dma_start3A_64 = arith.constant 0 : i32
      %dma_start3A_65 = tpu.memref_slice %arg6[%arg0, %dma_start3A_63, %dma_start3A_64] : memref<2x10112x64xf32, #tpu.memory_space<hbm>> -> memref<1x10112x64xf32, #tpu.memory_space<hbm>>
      %dma_start3A_66 = tpu.memref_squeeze %dma_start3A_65 : memref<1x10112x64xf32, #tpu.memory_space<hbm>> -> memref<10112x64xf32, #tpu.memory_space<hbm>>
      %dma_start3A_67 = arith.constant 0 : i32
      %dma_start3A_68 = tpu.memref_slice %dma_start3A_66[%mul3A_0, %dma_start3A_67] : memref<10112x64xf32, #tpu.memory_space<hbm>> -> memref<632x64xf32, #tpu.memory_space<hbm>>
      %dma_start3A_69 = arith.constant 0 : i32
      %dma_start3A_70 = tpu.memref_slice %arg24[%mul3A_0, %dma_start3A_69] : memref<10112x64xf32, #tpu.memory_space<vmem_shared>> -> memref<632x64xf32, #tpu.memory_space<vmem_shared>>
      tpu.enqueue_dma source(%dma_start3A_70 : memref<632x64xf32, #tpu.memory_space<vmem_shared>>) target(%dma_start3A_68 : memref<632x64xf32, #tpu.memory_space<hbm>>) target_semaphore(%run_scoped3A : memref<!tpu.dma_semaphore, #tpu.memory_space<semaphore_mem>>)
      %dma_wait3A = arith.constant 0 : i32
      %dma_wait3A_71 = arith.constant 0 : i32
      %dma_wait3A_72 = tpu.memref_slice %arg6[%arg0, %dma_wait3A, %dma_wait3A_71] : memref<2x10112x64xf32, #tpu.memory_space<hbm>> -> memref<1x10112x64xf32, #tpu.memory_space<hbm>>
      %dma_wait3A_73 = tpu.memref_squeeze %dma_wait3A_72 : memref<1x10112x64xf32, #tpu.memory_space<hbm>> -> memref<10112x64xf32, #tpu.memory_space<hbm>>
      %dma_wait3A_74 = arith.constant 0 : i32
      %dma_wait3A_75 = tpu.memref_slice %dma_wait3A_73[%mul3A_0, %dma_wait3A_74] : memref<10112x64xf32, #tpu.memory_space<hbm>> -> memref<632x64xf32, #tpu.memory_space<hbm>>
      %dma_wait3A_76 = arith.constant 0 : i32
      %dma_wait3A_77 = tpu.memref_slice %arg24[%mul3A_0, %dma_wait3A_76] : memref<10112x64xf32, #tpu.memory_space<vmem_shared>> -> memref<632x64xf32, #tpu.memory_space<vmem_shared>>
      tpu.wait_dma2 semaphore(%run_scoped3A : memref<!tpu.dma_semaphore, #tpu.memory_space<semaphore_mem>>) src(%dma_wait3A_77 : memref<632x64xf32, #tpu.memory_space<vmem_shared>>) dst(%dma_wait3A_75 : memref<632x64xf32, #tpu.memory_space<hbm>>)
      tpu.yield
    }) : () -> ()
    return
  }
}

#map = affine_map<(d0, d1) -> (0, 0)>
#map1 = affine_map<(d0, d1) -> (0, 0, 0)>
module attributes {stable_mosaic.version = 14 : i64} {
  func.func @k(%arg0: i32, %arg1: i32, %arg2: memref<10000x8xf32, #tpu.memory_space<hbm>>, %arg3: memref<2560x128xi32, #tpu.memory_space<hbm>>, %arg4: memref<2560x128xi32, #tpu.memory_space<hbm>>, %arg5: memref<10112x8xf32, #tpu.memory_space<hbm>>, %arg6: memref<2x10112x8xf32, #tpu.memory_space<hbm>>, %arg7: memref<80x128xi32, #tpu.memory_space<vmem>>, %arg8: memref<80x128xi32, #tpu.memory_space<vmem>>, %arg9: memref<128x8xf32, #tpu.memory_space<vmem>>, %arg10: memref<128x8xf32, #tpu.memory_space<vmem>>, %arg11: memref<128x8xf32, #tpu.memory_space<vmem>>, %arg12: memref<128x8xf32, #tpu.memory_space<vmem>>, %arg13: memref<!tpu.dma_semaphore, #tpu.memory_space<semaphore_mem>>, %arg14: memref<!tpu.dma_semaphore, #tpu.memory_space<semaphore_mem>>, %arg15: memref<!tpu.dma_semaphore, #tpu.memory_space<semaphore_mem>>, %arg16: memref<!tpu.dma_semaphore, #tpu.memory_space<semaphore_mem>>, %arg17: memref<!tpu.dma_semaphore, #tpu.memory_space<semaphore_mem>>, %arg18: memref<!tpu.dma_semaphore, #tpu.memory_space<semaphore_mem>>, %arg19: memref<!tpu.dma_semaphore, #tpu.memory_space<semaphore_mem>>, %arg20: memref<!tpu.dma_semaphore, #tpu.memory_space<semaphore_mem>>, %arg21: memref<10112x8xf32, #tpu.memory_space<vmem_shared>>) attributes {dimension_semantics = [#tpu.dimension_semantics<core_parallel>, #tpu.dimension_semantics<subcore_parallel>], iteration_bounds = array<i64: 2, 16>, scalar_prefetch = 0 : i64, scratch_operands = 15 : i64, tpu.core_type = #tpu.core_type<sc_vector_subcore>, window_params = [{transform_indices = #map}, {transform_indices = #map}, {transform_indices = #map}, {transform_indices = #map}, {transform_indices = #map1}]} {
    %mul3A = arith.constant 16 : i32
    %mul3A_0 = arith.muli %arg0, %mul3A : i32
    %add3A = arith.addi %mul3A_0, %arg1 : i32
    %mul3A_1 = arith.constant 632 : i32
    %mul3A_2 = arith.muli %arg1, %mul3A_1 : i32
    "tpu.region"() ({
      %run_scoped3A = tpu.sem_alloc : memref<!tpu.dma_semaphore, #tpu.memory_space<semaphore_mem>>
      %dma_start3A_40 = arith.constant 0 : i32
      %dma_start3A_41 = tpu.memref_slice %arg21[%mul3A_2, %dma_start3A_40] : memref<10112x8xf32, #tpu.memory_space<vmem_shared>> -> memref<632x8xf32, #tpu.memory_space<vmem_shared>>
      %dma_start3A_42 = arith.constant 0 : i32
      %dma_start3A_43 = tpu.memref_slice %arg5[%mul3A_2, %dma_start3A_42] : memref<10112x8xf32, #tpu.memory_space<hbm>> -> memref<632x8xf32, #tpu.memory_space<hbm>>
      tpu.enqueue_dma source(%dma_start3A_43 : memref<632x8xf32, #tpu.memory_space<hbm>>) target(%dma_start3A_41 : memref<632x8xf32, #tpu.memory_space<vmem_shared>>) target_semaphore(%run_scoped3A : memref<!tpu.dma_semaphore, #tpu.memory_space<semaphore_mem>>)
      %dma_wait3A = arith.constant 0 : i32
      %dma_wait3A_44 = tpu.memref_slice %arg21[%mul3A_2, %dma_wait3A] : memref<10112x8xf32, #tpu.memory_space<vmem_shared>> -> memref<632x8xf32, #tpu.memory_space<vmem_shared>>
      %dma_wait3A_45 = arith.constant 0 : i32
      %dma_wait3A_46 = tpu.memref_slice %arg5[%mul3A_2, %dma_wait3A_45] : memref<10112x8xf32, #tpu.memory_space<hbm>> -> memref<632x8xf32, #tpu.memory_space<hbm>>
      tpu.wait_dma2 semaphore(%run_scoped3A : memref<!tpu.dma_semaphore, #tpu.memory_space<semaphore_mem>>) src(%dma_wait3A_46 : memref<632x8xf32, #tpu.memory_space<hbm>>) dst(%dma_wait3A_44 : memref<632x8xf32, #tpu.memory_space<vmem_shared>>)
      tpu.yield
    }) : () -> ()
    %barrier3A = arith.constant 0 : index
    tpu.barrier barrier_id(%barrier3A)
    %mul3A_3 = arith.constant 80 : i32
    %mul3A_4 = arith.muli %add3A, %mul3A_3 : i32
    %add3A_5 = arith.constant 0 : i32
    %add3A_6 = arith.addi %mul3A_4, %add3A_5 : i32
    "tpu.region"() ({
      %run_scoped3A = tpu.sem_alloc : memref<!tpu.dma_semaphore, #tpu.memory_space<semaphore_mem>>
      %dma_start3A_40 = arith.constant 0 : i32
      %dma_start3A_41 = tpu.memref_slice %arg3[%add3A_6, %dma_start3A_40] : memref<2560x128xi32, #tpu.memory_space<hbm>> -> memref<80x128xi32, #tpu.memory_space<hbm>>
      %dma_start3A_42 = arith.constant 0 : i32
      %dma_start3A_43 = tpu.memref_slice %arg3[%add3A_6, %dma_start3A_42] : memref<2560x128xi32, #tpu.memory_space<hbm>> -> memref<80x128xi32, #tpu.memory_space<hbm>>
      tpu.enqueue_dma source(%dma_start3A_43 : memref<80x128xi32, #tpu.memory_space<hbm>>) target(%arg7 : memref<80x128xi32, #tpu.memory_space<vmem>>) target_semaphore(%run_scoped3A : memref<!tpu.dma_semaphore, #tpu.memory_space<semaphore_mem>>)
      %dma_wait3A = arith.constant 0 : i32
      %dma_wait3A_44 = tpu.memref_slice %arg3[%add3A_6, %dma_wait3A] : memref<2560x128xi32, #tpu.memory_space<hbm>> -> memref<80x128xi32, #tpu.memory_space<hbm>>
      %dma_wait3A_45 = arith.constant 0 : i32
      %dma_wait3A_46 = tpu.memref_slice %arg3[%add3A_6, %dma_wait3A_45] : memref<2560x128xi32, #tpu.memory_space<hbm>> -> memref<80x128xi32, #tpu.memory_space<hbm>>
      tpu.wait_dma2 semaphore(%run_scoped3A : memref<!tpu.dma_semaphore, #tpu.memory_space<semaphore_mem>>) src(%dma_wait3A_46 : memref<80x128xi32, #tpu.memory_space<hbm>>) dst(%arg7 : memref<80x128xi32, #tpu.memory_space<vmem>>)
      tpu.yield
    }) : () -> ()
    "tpu.region"() ({
      %run_scoped3A = tpu.sem_alloc : memref<!tpu.dma_semaphore, #tpu.memory_space<semaphore_mem>>
      %dma_start3A_40 = arith.constant 0 : i32
      %dma_start3A_41 = tpu.memref_slice %arg4[%add3A_6, %dma_start3A_40] : memref<2560x128xi32, #tpu.memory_space<hbm>> -> memref<80x128xi32, #tpu.memory_space<hbm>>
      %dma_start3A_42 = arith.constant 0 : i32
      %dma_start3A_43 = tpu.memref_slice %arg4[%add3A_6, %dma_start3A_42] : memref<2560x128xi32, #tpu.memory_space<hbm>> -> memref<80x128xi32, #tpu.memory_space<hbm>>
      tpu.enqueue_dma source(%dma_start3A_43 : memref<80x128xi32, #tpu.memory_space<hbm>>) target(%arg8 : memref<80x128xi32, #tpu.memory_space<vmem>>) target_semaphore(%run_scoped3A : memref<!tpu.dma_semaphore, #tpu.memory_space<semaphore_mem>>)
      %dma_wait3A = arith.constant 0 : i32
      %dma_wait3A_44 = tpu.memref_slice %arg4[%add3A_6, %dma_wait3A] : memref<2560x128xi32, #tpu.memory_space<hbm>> -> memref<80x128xi32, #tpu.memory_space<hbm>>
      %dma_wait3A_45 = arith.constant 0 : i32
      %dma_wait3A_46 = tpu.memref_slice %arg4[%add3A_6, %dma_wait3A_45] : memref<2560x128xi32, #tpu.memory_space<hbm>> -> memref<80x128xi32, #tpu.memory_space<hbm>>
      tpu.wait_dma2 semaphore(%run_scoped3A : memref<!tpu.dma_semaphore, #tpu.memory_space<semaphore_mem>>) src(%dma_wait3A_46 : memref<80x128xi32, #tpu.memory_space<hbm>>) dst(%arg8 : memref<80x128xi32, #tpu.memory_space<vmem>>)
      tpu.yield
    }) : () -> ()
    %dma_start3A = arith.constant 0 : i32
    %dma_start3A_7 = arith.constant 0 : i32
    %dma_start3A_8 = tpu.memref_slice %arg7[%dma_start3A, %dma_start3A_7] : memref<80x128xi32, #tpu.memory_space<vmem>> -> memref<1x128xi32, #tpu.memory_space<vmem>>
    %dma_start3A_9 = tpu.memref_squeeze %dma_start3A_8 : memref<1x128xi32, #tpu.memory_space<vmem>> -> memref<128xi32, #tpu.memory_space<vmem>>
    %dma_start3A_10 = arith.constant 0 : i32
    %dma_start3A_11 = arith.constant 0 : i32
    %dma_start3A_12 = tpu.memref_slice %arg2[%dma_start3A_10, %dma_start3A_11] : memref<10000x8xf32, #tpu.memory_space<hbm>> -> memref<10000x8xf32, #tpu.memory_space<hbm>>
    tpu.enqueue_indirect_dma source(%dma_start3A_12 : memref<10000x8xf32, #tpu.memory_space<hbm>>) target(%arg9 : memref<128x8xf32, #tpu.memory_space<vmem>>) offsets(%dma_start3A_9 : memref<128xi32, #tpu.memory_space<vmem>>) semaphore(%arg13 : memref<!tpu.dma_semaphore, #tpu.memory_space<semaphore_mem>>)
    %dma_start3A_13 = arith.constant 1 : i32
    %dma_start3A_14 = arith.constant 0 : i32
    %dma_start3A_15 = tpu.memref_slice %arg7[%dma_start3A_13, %dma_start3A_14] : memref<80x128xi32, #tpu.memory_space<vmem>> -> memref<1x128xi32, #tpu.memory_space<vmem>>
    %dma_start3A_16 = tpu.memref_squeeze %dma_start3A_15 : memref<1x128xi32, #tpu.memory_space<vmem>> -> memref<128xi32, #tpu.memory_space<vmem>>
    %dma_start3A_17 = arith.constant 0 : i32
    %dma_start3A_18 = arith.constant 0 : i32
    %dma_start3A_19 = tpu.memref_slice %arg2[%dma_start3A_17, %dma_start3A_18] : memref<10000x8xf32, #tpu.memory_space<hbm>> -> memref<10000x8xf32, #tpu.memory_space<hbm>>
    tpu.enqueue_indirect_dma source(%dma_start3A_19 : memref<10000x8xf32, #tpu.memory_space<hbm>>) target(%arg10 : memref<128x8xf32, #tpu.memory_space<vmem>>) offsets(%dma_start3A_16 : memref<128xi32, #tpu.memory_space<vmem>>) semaphore(%arg14 : memref<!tpu.dma_semaphore, #tpu.memory_space<semaphore_mem>>)
    %dma_start3A_20 = arith.constant 2 : i32
    %dma_start3A_21 = arith.constant 0 : i32
    %dma_start3A_22 = tpu.memref_slice %arg7[%dma_start3A_20, %dma_start3A_21] : memref<80x128xi32, #tpu.memory_space<vmem>> -> memref<1x128xi32, #tpu.memory_space<vmem>>
    %dma_start3A_23 = tpu.memref_squeeze %dma_start3A_22 : memref<1x128xi32, #tpu.memory_space<vmem>> -> memref<128xi32, #tpu.memory_space<vmem>>
    %dma_start3A_24 = arith.constant 0 : i32
    %dma_start3A_25 = arith.constant 0 : i32
    %dma_start3A_26 = tpu.memref_slice %arg2[%dma_start3A_24, %dma_start3A_25] : memref<10000x8xf32, #tpu.memory_space<hbm>> -> memref<10000x8xf32, #tpu.memory_space<hbm>>
    tpu.enqueue_indirect_dma source(%dma_start3A_26 : memref<10000x8xf32, #tpu.memory_space<hbm>>) target(%arg11 : memref<128x8xf32, #tpu.memory_space<vmem>>) offsets(%dma_start3A_23 : memref<128xi32, #tpu.memory_space<vmem>>) semaphore(%arg15 : memref<!tpu.dma_semaphore, #tpu.memory_space<semaphore_mem>>)
    %dma_start3A_27 = arith.constant 3 : i32
    %dma_start3A_28 = arith.constant 0 : i32
    %dma_start3A_29 = tpu.memref_slice %arg7[%dma_start3A_27, %dma_start3A_28] : memref<80x128xi32, #tpu.memory_space<vmem>> -> memref<1x128xi32, #tpu.memory_space<vmem>>
    %dma_start3A_30 = tpu.memref_squeeze %dma_start3A_29 : memref<1x128xi32, #tpu.memory_space<vmem>> -> memref<128xi32, #tpu.memory_space<vmem>>
    %dma_start3A_31 = arith.constant 0 : i32
    %dma_start3A_32 = arith.constant 0 : i32
    %dma_start3A_33 = tpu.memref_slice %arg2[%dma_start3A_31, %dma_start3A_32] : memref<10000x8xf32, #tpu.memory_space<hbm>> -> memref<10000x8xf32, #tpu.memory_space<hbm>>
    tpu.enqueue_indirect_dma source(%dma_start3A_33 : memref<10000x8xf32, #tpu.memory_space<hbm>>) target(%arg12 : memref<128x8xf32, #tpu.memory_space<vmem>>) offsets(%dma_start3A_30 : memref<128xi32, #tpu.memory_space<vmem>>) semaphore(%arg16 : memref<!tpu.dma_semaphore, #tpu.memory_space<semaphore_mem>>)
    %scan3A = arith.constant 0 : i32
    %scan3A_34 = arith.constant 0 : i32
    %scan3A_35 = arith.constant 20 : i32
    %scan3A_36 = arith.addi %scan3A_34, %scan3A_35 : i32
    %scan3A_37 = arith.constant 1 : i32
    scf.for %scan3A_40 = %scan3A_34 to %scan3A_36 step %scan3A_37  : i32 {
      %mul3A_41 = arith.constant 4 : i32
      %mul3A_42 = arith.muli %scan3A_40, %mul3A_41 : i32
      %add3A_43 = arith.constant 0 : i32
      %add3A_44 = arith.addi %mul3A_42, %add3A_43 : i32
      %dma_wait3A = arith.constant 0 : i32
      %dma_wait3A_45 = tpu.memref_slice %arg7[%add3A_44, %dma_wait3A] : memref<80x128xi32, #tpu.memory_space<vmem>> -> memref<1x128xi32, #tpu.memory_space<vmem>>
      %dma_wait3A_46 = tpu.memref_squeeze %dma_wait3A_45 : memref<1x128xi32, #tpu.memory_space<vmem>> -> memref<128xi32, #tpu.memory_space<vmem>>
      %dma_wait3A_47 = arith.constant 0 : i32
      %dma_wait3A_48 = arith.constant 0 : i32
      %dma_wait3A_49 = tpu.memref_slice %arg2[%dma_wait3A_47, %dma_wait3A_48] : memref<10000x8xf32, #tpu.memory_space<hbm>> -> memref<10000x8xf32, #tpu.memory_space<hbm>>
      tpu.wait_indirect_dma semaphore(%arg13 : memref<!tpu.dma_semaphore, #tpu.memory_space<semaphore_mem>>) src(%dma_wait3A_49 : memref<10000x8xf32, #tpu.memory_space<hbm>>) dst(%arg9 : memref<128x8xf32, #tpu.memory_space<vmem>>)
      %dma_start3A_50 = arith.constant 0 : i32
      %dma_start3A_51 = tpu.memref_slice %arg8[%add3A_44, %dma_start3A_50] : memref<80x128xi32, #tpu.memory_space<vmem>> -> memref<1x128xi32, #tpu.memory_space<vmem>>
      %dma_start3A_52 = tpu.memref_squeeze %dma_start3A_51 : memref<1x128xi32, #tpu.memory_space<vmem>> -> memref<128xi32, #tpu.memory_space<vmem>>
      %dma_start3A_53 = arith.constant 0 : i32
      %dma_start3A_54 = arith.constant 0 : i32
      %dma_start3A_55 = tpu.memref_slice %arg21[%dma_start3A_53, %dma_start3A_54] : memref<10112x8xf32, #tpu.memory_space<vmem_shared>> -> memref<10112x8xf32, #tpu.memory_space<vmem_shared>>
      tpu.enqueue_indirect_dma source(%arg9 : memref<128x8xf32, #tpu.memory_space<vmem>>) target(%dma_start3A_55 : memref<10112x8xf32, #tpu.memory_space<vmem_shared>>) offsets(%dma_start3A_52 : memref<128xi32, #tpu.memory_space<vmem>>) semaphore(%arg17 : memref<!tpu.dma_semaphore, #tpu.memory_space<semaphore_mem>>) {add = true}
      %add3A_56 = arith.constant 1 : i32
      %add3A_57 = arith.addi %mul3A_42, %add3A_56 : i32
      %dma_wait3A_58 = arith.constant 0 : i32
      %dma_wait3A_59 = tpu.memref_slice %arg7[%add3A_57, %dma_wait3A_58] : memref<80x128xi32, #tpu.memory_space<vmem>> -> memref<1x128xi32, #tpu.memory_space<vmem>>
      %dma_wait3A_60 = tpu.memref_squeeze %dma_wait3A_59 : memref<1x128xi32, #tpu.memory_space<vmem>> -> memref<128xi32, #tpu.memory_space<vmem>>
      %dma_wait3A_61 = arith.constant 0 : i32
      %dma_wait3A_62 = arith.constant 0 : i32
      %dma_wait3A_63 = tpu.memref_slice %arg2[%dma_wait3A_61, %dma_wait3A_62] : memref<10000x8xf32, #tpu.memory_space<hbm>> -> memref<10000x8xf32, #tpu.memory_space<hbm>>
      tpu.wait_indirect_dma semaphore(%arg14 : memref<!tpu.dma_semaphore, #tpu.memory_space<semaphore_mem>>) src(%dma_wait3A_63 : memref<10000x8xf32, #tpu.memory_space<hbm>>) dst(%arg10 : memref<128x8xf32, #tpu.memory_space<vmem>>)
      %dma_start3A_64 = arith.constant 0 : i32
      %dma_start3A_65 = tpu.memref_slice %arg8[%add3A_57, %dma_start3A_64] : memref<80x128xi32, #tpu.memory_space<vmem>> -> memref<1x128xi32, #tpu.memory_space<vmem>>
      %dma_start3A_66 = tpu.memref_squeeze %dma_start3A_65 : memref<1x128xi32, #tpu.memory_space<vmem>> -> memref<128xi32, #tpu.memory_space<vmem>>
      %dma_start3A_67 = arith.constant 0 : i32
      %dma_start3A_68 = arith.constant 0 : i32
      %dma_start3A_69 = tpu.memref_slice %arg21[%dma_start3A_67, %dma_start3A_68] : memref<10112x8xf32, #tpu.memory_space<vmem_shared>> -> memref<10112x8xf32, #tpu.memory_space<vmem_shared>>
      tpu.enqueue_indirect_dma source(%arg10 : memref<128x8xf32, #tpu.memory_space<vmem>>) target(%dma_start3A_69 : memref<10112x8xf32, #tpu.memory_space<vmem_shared>>) offsets(%dma_start3A_66 : memref<128xi32, #tpu.memory_space<vmem>>) semaphore(%arg18 : memref<!tpu.dma_semaphore, #tpu.memory_space<semaphore_mem>>) {add = true}
      %add3A_70 = arith.constant 2 : i32
      %add3A_71 = arith.addi %mul3A_42, %add3A_70 : i32
      %dma_wait3A_72 = arith.constant 0 : i32
      %dma_wait3A_73 = tpu.memref_slice %arg7[%add3A_71, %dma_wait3A_72] : memref<80x128xi32, #tpu.memory_space<vmem>> -> memref<1x128xi32, #tpu.memory_space<vmem>>
      %dma_wait3A_74 = tpu.memref_squeeze %dma_wait3A_73 : memref<1x128xi32, #tpu.memory_space<vmem>> -> memref<128xi32, #tpu.memory_space<vmem>>
      %dma_wait3A_75 = arith.constant 0 : i32
      %dma_wait3A_76 = arith.constant 0 : i32
      %dma_wait3A_77 = tpu.memref_slice %arg2[%dma_wait3A_75, %dma_wait3A_76] : memref<10000x8xf32, #tpu.memory_space<hbm>> -> memref<10000x8xf32, #tpu.memory_space<hbm>>
      tpu.wait_indirect_dma semaphore(%arg15 : memref<!tpu.dma_semaphore, #tpu.memory_space<semaphore_mem>>) src(%dma_wait3A_77 : memref<10000x8xf32, #tpu.memory_space<hbm>>) dst(%arg11 : memref<128x8xf32, #tpu.memory_space<vmem>>)
      %dma_start3A_78 = arith.constant 0 : i32
      %dma_start3A_79 = tpu.memref_slice %arg8[%add3A_71, %dma_start3A_78] : memref<80x128xi32, #tpu.memory_space<vmem>> -> memref<1x128xi32, #tpu.memory_space<vmem>>
      %dma_start3A_80 = tpu.memref_squeeze %dma_start3A_79 : memref<1x128xi32, #tpu.memory_space<vmem>> -> memref<128xi32, #tpu.memory_space<vmem>>
      %dma_start3A_81 = arith.constant 0 : i32
      %dma_start3A_82 = arith.constant 0 : i32
      %dma_start3A_83 = tpu.memref_slice %arg21[%dma_start3A_81, %dma_start3A_82] : memref<10112x8xf32, #tpu.memory_space<vmem_shared>> -> memref<10112x8xf32, #tpu.memory_space<vmem_shared>>
      tpu.enqueue_indirect_dma source(%arg11 : memref<128x8xf32, #tpu.memory_space<vmem>>) target(%dma_start3A_83 : memref<10112x8xf32, #tpu.memory_space<vmem_shared>>) offsets(%dma_start3A_80 : memref<128xi32, #tpu.memory_space<vmem>>) semaphore(%arg19 : memref<!tpu.dma_semaphore, #tpu.memory_space<semaphore_mem>>) {add = true}
      %add3A_84 = arith.constant 3 : i32
      %add3A_85 = arith.addi %mul3A_42, %add3A_84 : i32
      %dma_wait3A_86 = arith.constant 0 : i32
      %dma_wait3A_87 = tpu.memref_slice %arg7[%add3A_85, %dma_wait3A_86] : memref<80x128xi32, #tpu.memory_space<vmem>> -> memref<1x128xi32, #tpu.memory_space<vmem>>
      %dma_wait3A_88 = tpu.memref_squeeze %dma_wait3A_87 : memref<1x128xi32, #tpu.memory_space<vmem>> -> memref<128xi32, #tpu.memory_space<vmem>>
      %dma_wait3A_89 = arith.constant 0 : i32
      %dma_wait3A_90 = arith.constant 0 : i32
      %dma_wait3A_91 = tpu.memref_slice %arg2[%dma_wait3A_89, %dma_wait3A_90] : memref<10000x8xf32, #tpu.memory_space<hbm>> -> memref<10000x8xf32, #tpu.memory_space<hbm>>
      tpu.wait_indirect_dma semaphore(%arg16 : memref<!tpu.dma_semaphore, #tpu.memory_space<semaphore_mem>>) src(%dma_wait3A_91 : memref<10000x8xf32, #tpu.memory_space<hbm>>) dst(%arg12 : memref<128x8xf32, #tpu.memory_space<vmem>>)
      %dma_start3A_92 = arith.constant 0 : i32
      %dma_start3A_93 = tpu.memref_slice %arg8[%add3A_85, %dma_start3A_92] : memref<80x128xi32, #tpu.memory_space<vmem>> -> memref<1x128xi32, #tpu.memory_space<vmem>>
      %dma_start3A_94 = tpu.memref_squeeze %dma_start3A_93 : memref<1x128xi32, #tpu.memory_space<vmem>> -> memref<128xi32, #tpu.memory_space<vmem>>
      %dma_start3A_95 = arith.constant 0 : i32
      %dma_start3A_96 = arith.constant 0 : i32
      %dma_start3A_97 = tpu.memref_slice %arg21[%dma_start3A_95, %dma_start3A_96] : memref<10112x8xf32, #tpu.memory_space<vmem_shared>> -> memref<10112x8xf32, #tpu.memory_space<vmem_shared>>
      tpu.enqueue_indirect_dma source(%arg12 : memref<128x8xf32, #tpu.memory_space<vmem>>) target(%dma_start3A_97 : memref<10112x8xf32, #tpu.memory_space<vmem_shared>>) offsets(%dma_start3A_94 : memref<128xi32, #tpu.memory_space<vmem>>) semaphore(%arg20 : memref<!tpu.dma_semaphore, #tpu.memory_space<semaphore_mem>>) {add = true}
      %add3A_98 = arith.constant 0 : i32
      %add3A_99 = arith.addi %mul3A_42, %add3A_98 : i32
      %dma_wait3A_100 = arith.constant 0 : i32
      %dma_wait3A_101 = tpu.memref_slice %arg8[%add3A_99, %dma_wait3A_100] : memref<80x128xi32, #tpu.memory_space<vmem>> -> memref<1x128xi32, #tpu.memory_space<vmem>>
      %dma_wait3A_102 = tpu.memref_squeeze %dma_wait3A_101 : memref<1x128xi32, #tpu.memory_space<vmem>> -> memref<128xi32, #tpu.memory_space<vmem>>
      %dma_wait3A_103 = arith.constant 0 : i32
      %dma_wait3A_104 = arith.constant 0 : i32
      %dma_wait3A_105 = tpu.memref_slice %arg21[%dma_wait3A_103, %dma_wait3A_104] : memref<10112x8xf32, #tpu.memory_space<vmem_shared>> -> memref<10112x8xf32, #tpu.memory_space<vmem_shared>>
      tpu.wait_indirect_dma semaphore(%arg17 : memref<!tpu.dma_semaphore, #tpu.memory_space<semaphore_mem>>) src(%arg9 : memref<128x8xf32, #tpu.memory_space<vmem>>) dst(%dma_wait3A_105 : memref<10112x8xf32, #tpu.memory_space<vmem_shared>>)
      %add3A_106 = arith.constant 4 : i32
      %add3A_107 = arith.addi %add3A_99, %add3A_106 : i32
      %lt3A = arith.constant 80 : i32
      %lt3A_108 = arith.cmpi slt, %add3A_107, %lt3A : i32
      %convert_element_type3A = arith.extui %lt3A_108 : i1 to i32
      %cond3A = arith.constant 0 : i32
      %cond3A_109 = arith.cmpi ne, %convert_element_type3A, %cond3A : i32
      scf.if %cond3A_109 {
        %add3A_155 = arith.constant 4 : i32
        %add3A_156 = arith.addi %add3A_99, %add3A_155 : i32
        %dma_start3A_157 = arith.constant 0 : i32
        %dma_start3A_158 = tpu.memref_slice %arg7[%add3A_156, %dma_start3A_157] : memref<80x128xi32, #tpu.memory_space<vmem>> -> memref<1x128xi32, #tpu.memory_space<vmem>>
        %dma_start3A_159 = tpu.memref_squeeze %dma_start3A_158 : memref<1x128xi32, #tpu.memory_space<vmem>> -> memref<128xi32, #tpu.memory_space<vmem>>
        %dma_start3A_160 = arith.constant 0 : i32
        %dma_start3A_161 = arith.constant 0 : i32
        %dma_start3A_162 = tpu.memref_slice %arg2[%dma_start3A_160, %dma_start3A_161] : memref<10000x8xf32, #tpu.memory_space<hbm>> -> memref<10000x8xf32, #tpu.memory_space<hbm>>
        tpu.enqueue_indirect_dma source(%dma_start3A_162 : memref<10000x8xf32, #tpu.memory_space<hbm>>) target(%arg9 : memref<128x8xf32, #tpu.memory_space<vmem>>) offsets(%dma_start3A_159 : memref<128xi32, #tpu.memory_space<vmem>>) semaphore(%arg13 : memref<!tpu.dma_semaphore, #tpu.memory_space<semaphore_mem>>)
      } else {
      }
      %add3A_110 = arith.constant 1 : i32
      %add3A_111 = arith.addi %mul3A_42, %add3A_110 : i32
      %dma_wait3A_112 = arith.constant 0 : i32
      %dma_wait3A_113 = tpu.memref_slice %arg8[%add3A_111, %dma_wait3A_112] : memref<80x128xi32, #tpu.memory_space<vmem>> -> memref<1x128xi32, #tpu.memory_space<vmem>>
      %dma_wait3A_114 = tpu.memref_squeeze %dma_wait3A_113 : memref<1x128xi32, #tpu.memory_space<vmem>> -> memref<128xi32, #tpu.memory_space<vmem>>
      %dma_wait3A_115 = arith.constant 0 : i32
      %dma_wait3A_116 = arith.constant 0 : i32
      %dma_wait3A_117 = tpu.memref_slice %arg21[%dma_wait3A_115, %dma_wait3A_116] : memref<10112x8xf32, #tpu.memory_space<vmem_shared>> -> memref<10112x8xf32, #tpu.memory_space<vmem_shared>>
      tpu.wait_indirect_dma semaphore(%arg18 : memref<!tpu.dma_semaphore, #tpu.memory_space<semaphore_mem>>) src(%arg10 : memref<128x8xf32, #tpu.memory_space<vmem>>) dst(%dma_wait3A_117 : memref<10112x8xf32, #tpu.memory_space<vmem_shared>>)
      %add3A_118 = arith.constant 4 : i32
      %add3A_119 = arith.addi %add3A_111, %add3A_118 : i32
      %lt3A_120 = arith.constant 80 : i32
      %lt3A_121 = arith.cmpi slt, %add3A_119, %lt3A_120 : i32
      %convert_element_type3A_122 = arith.extui %lt3A_121 : i1 to i32
      %cond3A_123 = arith.constant 0 : i32
      %cond3A_124 = arith.cmpi ne, %convert_element_type3A_122, %cond3A_123 : i32
      scf.if %cond3A_124 {
        %add3A_155 = arith.constant 4 : i32
        %add3A_156 = arith.addi %add3A_111, %add3A_155 : i32
        %dma_start3A_157 = arith.constant 0 : i32
        %dma_start3A_158 = tpu.memref_slice %arg7[%add3A_156, %dma_start3A_157] : memref<80x128xi32, #tpu.memory_space<vmem>> -> memref<1x128xi32, #tpu.memory_space<vmem>>
        %dma_start3A_159 = tpu.memref_squeeze %dma_start3A_158 : memref<1x128xi32, #tpu.memory_space<vmem>> -> memref<128xi32, #tpu.memory_space<vmem>>
        %dma_start3A_160 = arith.constant 0 : i32
        %dma_start3A_161 = arith.constant 0 : i32
        %dma_start3A_162 = tpu.memref_slice %arg2[%dma_start3A_160, %dma_start3A_161] : memref<10000x8xf32, #tpu.memory_space<hbm>> -> memref<10000x8xf32, #tpu.memory_space<hbm>>
        tpu.enqueue_indirect_dma source(%dma_start3A_162 : memref<10000x8xf32, #tpu.memory_space<hbm>>) target(%arg10 : memref<128x8xf32, #tpu.memory_space<vmem>>) offsets(%dma_start3A_159 : memref<128xi32, #tpu.memory_space<vmem>>) semaphore(%arg14 : memref<!tpu.dma_semaphore, #tpu.memory_space<semaphore_mem>>)
      } else {
      }
      %add3A_125 = arith.constant 2 : i32
      %add3A_126 = arith.addi %mul3A_42, %add3A_125 : i32
      %dma_wait3A_127 = arith.constant 0 : i32
      %dma_wait3A_128 = tpu.memref_slice %arg8[%add3A_126, %dma_wait3A_127] : memref<80x128xi32, #tpu.memory_space<vmem>> -> memref<1x128xi32, #tpu.memory_space<vmem>>
      %dma_wait3A_129 = tpu.memref_squeeze %dma_wait3A_128 : memref<1x128xi32, #tpu.memory_space<vmem>> -> memref<128xi32, #tpu.memory_space<vmem>>
      %dma_wait3A_130 = arith.constant 0 : i32
      %dma_wait3A_131 = arith.constant 0 : i32
      %dma_wait3A_132 = tpu.memref_slice %arg21[%dma_wait3A_130, %dma_wait3A_131] : memref<10112x8xf32, #tpu.memory_space<vmem_shared>> -> memref<10112x8xf32, #tpu.memory_space<vmem_shared>>
      tpu.wait_indirect_dma semaphore(%arg19 : memref<!tpu.dma_semaphore, #tpu.memory_space<semaphore_mem>>) src(%arg11 : memref<128x8xf32, #tpu.memory_space<vmem>>) dst(%dma_wait3A_132 : memref<10112x8xf32, #tpu.memory_space<vmem_shared>>)
      %add3A_133 = arith.constant 4 : i32
      %add3A_134 = arith.addi %add3A_126, %add3A_133 : i32
      %lt3A_135 = arith.constant 80 : i32
      %lt3A_136 = arith.cmpi slt, %add3A_134, %lt3A_135 : i32
      %convert_element_type3A_137 = arith.extui %lt3A_136 : i1 to i32
      %cond3A_138 = arith.constant 0 : i32
      %cond3A_139 = arith.cmpi ne, %convert_element_type3A_137, %cond3A_138 : i32
      scf.if %cond3A_139 {
        %add3A_155 = arith.constant 4 : i32
        %add3A_156 = arith.addi %add3A_126, %add3A_155 : i32
        %dma_start3A_157 = arith.constant 0 : i32
        %dma_start3A_158 = tpu.memref_slice %arg7[%add3A_156, %dma_start3A_157] : memref<80x128xi32, #tpu.memory_space<vmem>> -> memref<1x128xi32, #tpu.memory_space<vmem>>
        %dma_start3A_159 = tpu.memref_squeeze %dma_start3A_158 : memref<1x128xi32, #tpu.memory_space<vmem>> -> memref<128xi32, #tpu.memory_space<vmem>>
        %dma_start3A_160 = arith.constant 0 : i32
        %dma_start3A_161 = arith.constant 0 : i32
        %dma_start3A_162 = tpu.memref_slice %arg2[%dma_start3A_160, %dma_start3A_161] : memref<10000x8xf32, #tpu.memory_space<hbm>> -> memref<10000x8xf32, #tpu.memory_space<hbm>>
        tpu.enqueue_indirect_dma source(%dma_start3A_162 : memref<10000x8xf32, #tpu.memory_space<hbm>>) target(%arg11 : memref<128x8xf32, #tpu.memory_space<vmem>>) offsets(%dma_start3A_159 : memref<128xi32, #tpu.memory_space<vmem>>) semaphore(%arg15 : memref<!tpu.dma_semaphore, #tpu.memory_space<semaphore_mem>>)
      } else {
      }
      %add3A_140 = arith.constant 3 : i32
      %add3A_141 = arith.addi %mul3A_42, %add3A_140 : i32
      %dma_wait3A_142 = arith.constant 0 : i32
      %dma_wait3A_143 = tpu.memref_slice %arg8[%add3A_141, %dma_wait3A_142] : memref<80x128xi32, #tpu.memory_space<vmem>> -> memref<1x128xi32, #tpu.memory_space<vmem>>
      %dma_wait3A_144 = tpu.memref_squeeze %dma_wait3A_143 : memref<1x128xi32, #tpu.memory_space<vmem>> -> memref<128xi32, #tpu.memory_space<vmem>>
      %dma_wait3A_145 = arith.constant 0 : i32
      %dma_wait3A_146 = arith.constant 0 : i32
      %dma_wait3A_147 = tpu.memref_slice %arg21[%dma_wait3A_145, %dma_wait3A_146] : memref<10112x8xf32, #tpu.memory_space<vmem_shared>> -> memref<10112x8xf32, #tpu.memory_space<vmem_shared>>
      tpu.wait_indirect_dma semaphore(%arg20 : memref<!tpu.dma_semaphore, #tpu.memory_space<semaphore_mem>>) src(%arg12 : memref<128x8xf32, #tpu.memory_space<vmem>>) dst(%dma_wait3A_147 : memref<10112x8xf32, #tpu.memory_space<vmem_shared>>)
      %add3A_148 = arith.constant 4 : i32
      %add3A_149 = arith.addi %add3A_141, %add3A_148 : i32
      %lt3A_150 = arith.constant 80 : i32
      %lt3A_151 = arith.cmpi slt, %add3A_149, %lt3A_150 : i32
      %convert_element_type3A_152 = arith.extui %lt3A_151 : i1 to i32
      %cond3A_153 = arith.constant 0 : i32
      %cond3A_154 = arith.cmpi ne, %convert_element_type3A_152, %cond3A_153 : i32
      scf.if %cond3A_154 {
        %add3A_155 = arith.constant 4 : i32
        %add3A_156 = arith.addi %add3A_141, %add3A_155 : i32
        %dma_start3A_157 = arith.constant 0 : i32
        %dma_start3A_158 = tpu.memref_slice %arg7[%add3A_156, %dma_start3A_157] : memref<80x128xi32, #tpu.memory_space<vmem>> -> memref<1x128xi32, #tpu.memory_space<vmem>>
        %dma_start3A_159 = tpu.memref_squeeze %dma_start3A_158 : memref<1x128xi32, #tpu.memory_space<vmem>> -> memref<128xi32, #tpu.memory_space<vmem>>
        %dma_start3A_160 = arith.constant 0 : i32
        %dma_start3A_161 = arith.constant 0 : i32
        %dma_start3A_162 = tpu.memref_slice %arg2[%dma_start3A_160, %dma_start3A_161] : memref<10000x8xf32, #tpu.memory_space<hbm>> -> memref<10000x8xf32, #tpu.memory_space<hbm>>
        tpu.enqueue_indirect_dma source(%dma_start3A_162 : memref<10000x8xf32, #tpu.memory_space<hbm>>) target(%arg12 : memref<128x8xf32, #tpu.memory_space<vmem>>) offsets(%dma_start3A_159 : memref<128xi32, #tpu.memory_space<vmem>>) semaphore(%arg16 : memref<!tpu.dma_semaphore, #tpu.memory_space<semaphore_mem>>)
      } else {
      }
    }
    %scan3A_38 = arith.constant 20 : i32
    %barrier3A_39 = arith.constant 0 : index
    tpu.barrier barrier_id(%barrier3A_39)
    "tpu.region"() ({
      %run_scoped3A = tpu.sem_alloc : memref<!tpu.dma_semaphore, #tpu.memory_space<semaphore_mem>>
      %dma_start3A_40 = arith.constant 0 : i32
      %dma_start3A_41 = arith.constant 0 : i32
      %dma_start3A_42 = tpu.memref_slice %arg6[%arg0, %dma_start3A_40, %dma_start3A_41] : memref<2x10112x8xf32, #tpu.memory_space<hbm>> -> memref<1x10112x8xf32, #tpu.memory_space<hbm>>
      %dma_start3A_43 = tpu.memref_squeeze %dma_start3A_42 : memref<1x10112x8xf32, #tpu.memory_space<hbm>> -> memref<10112x8xf32, #tpu.memory_space<hbm>>
      %dma_start3A_44 = arith.constant 0 : i32
      %dma_start3A_45 = tpu.memref_slice %dma_start3A_43[%mul3A_2, %dma_start3A_44] : memref<10112x8xf32, #tpu.memory_space<hbm>> -> memref<632x8xf32, #tpu.memory_space<hbm>>
      %dma_start3A_46 = arith.constant 0 : i32
      %dma_start3A_47 = tpu.memref_slice %arg21[%mul3A_2, %dma_start3A_46] : memref<10112x8xf32, #tpu.memory_space<vmem_shared>> -> memref<632x8xf32, #tpu.memory_space<vmem_shared>>
      tpu.enqueue_dma source(%dma_start3A_47 : memref<632x8xf32, #tpu.memory_space<vmem_shared>>) target(%dma_start3A_45 : memref<632x8xf32, #tpu.memory_space<hbm>>) target_semaphore(%run_scoped3A : memref<!tpu.dma_semaphore, #tpu.memory_space<semaphore_mem>>)
      %dma_wait3A = arith.constant 0 : i32
      %dma_wait3A_48 = arith.constant 0 : i32
      %dma_wait3A_49 = tpu.memref_slice %arg6[%arg0, %dma_wait3A, %dma_wait3A_48] : memref<2x10112x8xf32, #tpu.memory_space<hbm>> -> memref<1x10112x8xf32, #tpu.memory_space<hbm>>
      %dma_wait3A_50 = tpu.memref_squeeze %dma_wait3A_49 : memref<1x10112x8xf32, #tpu.memory_space<hbm>> -> memref<10112x8xf32, #tpu.memory_space<hbm>>
      %dma_wait3A_51 = arith.constant 0 : i32
      %dma_wait3A_52 = tpu.memref_slice %dma_wait3A_50[%mul3A_2, %dma_wait3A_51] : memref<10112x8xf32, #tpu.memory_space<hbm>> -> memref<632x8xf32, #tpu.memory_space<hbm>>
      %dma_wait3A_53 = arith.constant 0 : i32
      %dma_wait3A_54 = tpu.memref_slice %arg21[%mul3A_2, %dma_wait3A_53] : memref<10112x8xf32, #tpu.memory_space<vmem_shared>> -> memref<632x8xf32, #tpu.memory_space<vmem_shared>>
      tpu.wait_dma2 semaphore(%run_scoped3A : memref<!tpu.dma_semaphore, #tpu.memory_space<semaphore_mem>>) src(%dma_wait3A_54 : memref<632x8xf32, #tpu.memory_space<vmem_shared>>) dst(%dma_wait3A_52 : memref<632x8xf32, #tpu.memory_space<hbm>>)
      tpu.yield
    }) : () -> ()
    return
  }
}

#map = affine_map<(d0, d1) -> (0, 0)>
#map1 = affine_map<(d0, d1) -> (0, 0, 0)>
module attributes {stable_mosaic.version = 14 : i64} {
  func.func @k(%arg0: i32, %arg1: i32, %arg2: memref<128x16xf32, #tpu.memory_space<hbm>>, %arg3: memref<2560x128xi32, #tpu.memory_space<hbm>>, %arg4: memref<2560x128xi32, #tpu.memory_space<hbm>>, %arg5: memref<10112x16xf32, #tpu.memory_space<hbm>>, %arg6: memref<2x10112x16xf32, #tpu.memory_space<hbm>>, %arg7: memref<80x128xi32, #tpu.memory_space<vmem>>, %arg8: memref<80x128xi32, #tpu.memory_space<vmem>>, %arg9: memref<128x16xf32, #tpu.memory_space<vmem>>, %arg10: memref<128x16xf32, #tpu.memory_space<vmem>>, %arg11: memref<128x16xf32, #tpu.memory_space<vmem>>, %arg12: memref<128x16xf32, #tpu.memory_space<vmem>>, %arg13: memref<!tpu.dma_semaphore, #tpu.memory_space<semaphore_mem>>, %arg14: memref<!tpu.dma_semaphore, #tpu.memory_space<semaphore_mem>>, %arg15: memref<!tpu.dma_semaphore, #tpu.memory_space<semaphore_mem>>, %arg16: memref<!tpu.dma_semaphore, #tpu.memory_space<semaphore_mem>>, %arg17: memref<!tpu.dma_semaphore, #tpu.memory_space<semaphore_mem>>, %arg18: memref<!tpu.dma_semaphore, #tpu.memory_space<semaphore_mem>>, %arg19: memref<!tpu.dma_semaphore, #tpu.memory_space<semaphore_mem>>, %arg20: memref<!tpu.dma_semaphore, #tpu.memory_space<semaphore_mem>>, %arg21: memref<10112x16xf32, #tpu.memory_space<vmem_shared>>) attributes {dimension_semantics = [#tpu.dimension_semantics<core_parallel>, #tpu.dimension_semantics<subcore_parallel>], iteration_bounds = array<i64: 2, 16>, scalar_prefetch = 0 : i64, scratch_operands = 15 : i64, tpu.core_type = #tpu.core_type<sc_vector_subcore>, window_params = [{transform_indices = #map}, {transform_indices = #map}, {transform_indices = #map}, {transform_indices = #map}, {transform_indices = #map1}]} {
    %mul3A = arith.constant 16 : i32
    %mul3A_0 = arith.muli %arg0, %mul3A : i32
    %add3A = arith.addi %mul3A_0, %arg1 : i32
    %mul3A_1 = arith.constant 632 : i32
    %mul3A_2 = arith.muli %arg1, %mul3A_1 : i32
    "tpu.region"() ({
      %run_scoped3A = tpu.sem_alloc : memref<!tpu.dma_semaphore, #tpu.memory_space<semaphore_mem>>
      %dma_start3A_40 = arith.constant 0 : i32
      %dma_start3A_41 = tpu.memref_slice %arg21[%mul3A_2, %dma_start3A_40] : memref<10112x16xf32, #tpu.memory_space<vmem_shared>> -> memref<632x16xf32, #tpu.memory_space<vmem_shared>>
      %dma_start3A_42 = arith.constant 0 : i32
      %dma_start3A_43 = tpu.memref_slice %arg5[%mul3A_2, %dma_start3A_42] : memref<10112x16xf32, #tpu.memory_space<hbm>> -> memref<632x16xf32, #tpu.memory_space<hbm>>
      tpu.enqueue_dma source(%dma_start3A_43 : memref<632x16xf32, #tpu.memory_space<hbm>>) target(%dma_start3A_41 : memref<632x16xf32, #tpu.memory_space<vmem_shared>>) target_semaphore(%run_scoped3A : memref<!tpu.dma_semaphore, #tpu.memory_space<semaphore_mem>>)
      %dma_wait3A = arith.constant 0 : i32
      %dma_wait3A_44 = tpu.memref_slice %arg21[%mul3A_2, %dma_wait3A] : memref<10112x16xf32, #tpu.memory_space<vmem_shared>> -> memref<632x16xf32, #tpu.memory_space<vmem_shared>>
      %dma_wait3A_45 = arith.constant 0 : i32
      %dma_wait3A_46 = tpu.memref_slice %arg5[%mul3A_2, %dma_wait3A_45] : memref<10112x16xf32, #tpu.memory_space<hbm>> -> memref<632x16xf32, #tpu.memory_space<hbm>>
      tpu.wait_dma2 semaphore(%run_scoped3A : memref<!tpu.dma_semaphore, #tpu.memory_space<semaphore_mem>>) src(%dma_wait3A_46 : memref<632x16xf32, #tpu.memory_space<hbm>>) dst(%dma_wait3A_44 : memref<632x16xf32, #tpu.memory_space<vmem_shared>>)
      tpu.yield
    }) : () -> ()
    "tpu.region"() ({
      %run_scoped3A = tpu.sem_alloc : memref<!tpu.dma_semaphore, #tpu.memory_space<semaphore_mem>>
      tpu.enqueue_dma source(%arg2 : memref<128x16xf32, #tpu.memory_space<hbm>>) target(%arg9 : memref<128x16xf32, #tpu.memory_space<vmem>>) target_semaphore(%run_scoped3A : memref<!tpu.dma_semaphore, #tpu.memory_space<semaphore_mem>>)
      tpu.wait_dma2 semaphore(%run_scoped3A : memref<!tpu.dma_semaphore, #tpu.memory_space<semaphore_mem>>) src(%arg2 : memref<128x16xf32, #tpu.memory_space<hbm>>) dst(%arg9 : memref<128x16xf32, #tpu.memory_space<vmem>>)
      tpu.yield
    }) : () -> ()
    %barrier3A = arith.constant 0 : index
    tpu.barrier barrier_id(%barrier3A)
    %mul3A_3 = arith.constant 80 : i32
    %mul3A_4 = arith.muli %add3A, %mul3A_3 : i32
    %add3A_5 = arith.constant 0 : i32
    %add3A_6 = arith.addi %mul3A_4, %add3A_5 : i32
    "tpu.region"() ({
      %run_scoped3A = tpu.sem_alloc : memref<!tpu.dma_semaphore, #tpu.memory_space<semaphore_mem>>
      %dma_start3A_40 = arith.constant 0 : i32
      %dma_start3A_41 = tpu.memref_slice %arg4[%add3A_6, %dma_start3A_40] : memref<2560x128xi32, #tpu.memory_space<hbm>> -> memref<80x128xi32, #tpu.memory_space<hbm>>
      %dma_start3A_42 = arith.constant 0 : i32
      %dma_start3A_43 = tpu.memref_slice %arg4[%add3A_6, %dma_start3A_42] : memref<2560x128xi32, #tpu.memory_space<hbm>> -> memref<80x128xi32, #tpu.memory_space<hbm>>
      tpu.enqueue_dma source(%dma_start3A_43 : memref<80x128xi32, #tpu.memory_space<hbm>>) target(%arg8 : memref<80x128xi32, #tpu.memory_space<vmem>>) target_semaphore(%run_scoped3A : memref<!tpu.dma_semaphore, #tpu.memory_space<semaphore_mem>>)
      %dma_wait3A = arith.constant 0 : i32
      %dma_wait3A_44 = tpu.memref_slice %arg4[%add3A_6, %dma_wait3A] : memref<2560x128xi32, #tpu.memory_space<hbm>> -> memref<80x128xi32, #tpu.memory_space<hbm>>
      %dma_wait3A_45 = arith.constant 0 : i32
      %dma_wait3A_46 = tpu.memref_slice %arg4[%add3A_6, %dma_wait3A_45] : memref<2560x128xi32, #tpu.memory_space<hbm>> -> memref<80x128xi32, #tpu.memory_space<hbm>>
      tpu.wait_dma2 semaphore(%run_scoped3A : memref<!tpu.dma_semaphore, #tpu.memory_space<semaphore_mem>>) src(%dma_wait3A_46 : memref<80x128xi32, #tpu.memory_space<hbm>>) dst(%arg8 : memref<80x128xi32, #tpu.memory_space<vmem>>)
      tpu.yield
    }) : () -> ()
    %dma_start3A = arith.constant 0 : i32
    %dma_start3A_7 = arith.constant 0 : i32
    %dma_start3A_8 = tpu.memref_slice %arg8[%dma_start3A, %dma_start3A_7] : memref<80x128xi32, #tpu.memory_space<vmem>> -> memref<1x128xi32, #tpu.memory_space<vmem>>
    %dma_start3A_9 = tpu.memref_squeeze %dma_start3A_8 : memref<1x128xi32, #tpu.memory_space<vmem>> -> memref<128xi32, #tpu.memory_space<vmem>>
    %dma_start3A_10 = arith.constant 0 : i32
    %dma_start3A_11 = arith.constant 0 : i32
    %dma_start3A_12 = tpu.memref_slice %arg21[%dma_start3A_10, %dma_start3A_11] : memref<10112x16xf32, #tpu.memory_space<vmem_shared>> -> memref<10112x16xf32, #tpu.memory_space<vmem_shared>>
    tpu.enqueue_indirect_dma source(%arg9 : memref<128x16xf32, #tpu.memory_space<vmem>>) target(%dma_start3A_12 : memref<10112x16xf32, #tpu.memory_space<vmem_shared>>) offsets(%dma_start3A_9 : memref<128xi32, #tpu.memory_space<vmem>>) semaphore(%arg17 : memref<!tpu.dma_semaphore, #tpu.memory_space<semaphore_mem>>) {add = true}
    %dma_start3A_13 = arith.constant 1 : i32
    %dma_start3A_14 = arith.constant 0 : i32
    %dma_start3A_15 = tpu.memref_slice %arg8[%dma_start3A_13, %dma_start3A_14] : memref<80x128xi32, #tpu.memory_space<vmem>> -> memref<1x128xi32, #tpu.memory_space<vmem>>
    %dma_start3A_16 = tpu.memref_squeeze %dma_start3A_15 : memref<1x128xi32, #tpu.memory_space<vmem>> -> memref<128xi32, #tpu.memory_space<vmem>>
    %dma_start3A_17 = arith.constant 0 : i32
    %dma_start3A_18 = arith.constant 0 : i32
    %dma_start3A_19 = tpu.memref_slice %arg21[%dma_start3A_17, %dma_start3A_18] : memref<10112x16xf32, #tpu.memory_space<vmem_shared>> -> memref<10112x16xf32, #tpu.memory_space<vmem_shared>>
    tpu.enqueue_indirect_dma source(%arg9 : memref<128x16xf32, #tpu.memory_space<vmem>>) target(%dma_start3A_19 : memref<10112x16xf32, #tpu.memory_space<vmem_shared>>) offsets(%dma_start3A_16 : memref<128xi32, #tpu.memory_space<vmem>>) semaphore(%arg18 : memref<!tpu.dma_semaphore, #tpu.memory_space<semaphore_mem>>) {add = true}
    %dma_start3A_20 = arith.constant 2 : i32
    %dma_start3A_21 = arith.constant 0 : i32
    %dma_start3A_22 = tpu.memref_slice %arg8[%dma_start3A_20, %dma_start3A_21] : memref<80x128xi32, #tpu.memory_space<vmem>> -> memref<1x128xi32, #tpu.memory_space<vmem>>
    %dma_start3A_23 = tpu.memref_squeeze %dma_start3A_22 : memref<1x128xi32, #tpu.memory_space<vmem>> -> memref<128xi32, #tpu.memory_space<vmem>>
    %dma_start3A_24 = arith.constant 0 : i32
    %dma_start3A_25 = arith.constant 0 : i32
    %dma_start3A_26 = tpu.memref_slice %arg21[%dma_start3A_24, %dma_start3A_25] : memref<10112x16xf32, #tpu.memory_space<vmem_shared>> -> memref<10112x16xf32, #tpu.memory_space<vmem_shared>>
    tpu.enqueue_indirect_dma source(%arg9 : memref<128x16xf32, #tpu.memory_space<vmem>>) target(%dma_start3A_26 : memref<10112x16xf32, #tpu.memory_space<vmem_shared>>) offsets(%dma_start3A_23 : memref<128xi32, #tpu.memory_space<vmem>>) semaphore(%arg19 : memref<!tpu.dma_semaphore, #tpu.memory_space<semaphore_mem>>) {add = true}
    %dma_start3A_27 = arith.constant 3 : i32
    %dma_start3A_28 = arith.constant 0 : i32
    %dma_start3A_29 = tpu.memref_slice %arg8[%dma_start3A_27, %dma_start3A_28] : memref<80x128xi32, #tpu.memory_space<vmem>> -> memref<1x128xi32, #tpu.memory_space<vmem>>
    %dma_start3A_30 = tpu.memref_squeeze %dma_start3A_29 : memref<1x128xi32, #tpu.memory_space<vmem>> -> memref<128xi32, #tpu.memory_space<vmem>>
    %dma_start3A_31 = arith.constant 0 : i32
    %dma_start3A_32 = arith.constant 0 : i32
    %dma_start3A_33 = tpu.memref_slice %arg21[%dma_start3A_31, %dma_start3A_32] : memref<10112x16xf32, #tpu.memory_space<vmem_shared>> -> memref<10112x16xf32, #tpu.memory_space<vmem_shared>>
    tpu.enqueue_indirect_dma source(%arg9 : memref<128x16xf32, #tpu.memory_space<vmem>>) target(%dma_start3A_33 : memref<10112x16xf32, #tpu.memory_space<vmem_shared>>) offsets(%dma_start3A_30 : memref<128xi32, #tpu.memory_space<vmem>>) semaphore(%arg20 : memref<!tpu.dma_semaphore, #tpu.memory_space<semaphore_mem>>) {add = true}
    %scan3A = arith.constant 0 : i32
    %scan3A_34 = arith.constant 0 : i32
    %scan3A_35 = arith.constant 20 : i32
    %scan3A_36 = arith.addi %scan3A_34, %scan3A_35 : i32
    %scan3A_37 = arith.constant 1 : i32
    scf.for %scan3A_40 = %scan3A_34 to %scan3A_36 step %scan3A_37  : i32 {
      %mul3A_41 = arith.constant 4 : i32
      %mul3A_42 = arith.muli %scan3A_40, %mul3A_41 : i32
      %add3A_43 = arith.constant 0 : i32
      %add3A_44 = arith.addi %mul3A_42, %add3A_43 : i32
      %dma_wait3A = arith.constant 0 : i32
      %dma_wait3A_45 = tpu.memref_slice %arg8[%add3A_44, %dma_wait3A] : memref<80x128xi32, #tpu.memory_space<vmem>> -> memref<1x128xi32, #tpu.memory_space<vmem>>
      %dma_wait3A_46 = tpu.memref_squeeze %dma_wait3A_45 : memref<1x128xi32, #tpu.memory_space<vmem>> -> memref<128xi32, #tpu.memory_space<vmem>>
      %dma_wait3A_47 = arith.constant 0 : i32
      %dma_wait3A_48 = arith.constant 0 : i32
      %dma_wait3A_49 = tpu.memref_slice %arg21[%dma_wait3A_47, %dma_wait3A_48] : memref<10112x16xf32, #tpu.memory_space<vmem_shared>> -> memref<10112x16xf32, #tpu.memory_space<vmem_shared>>
      tpu.wait_indirect_dma semaphore(%arg17 : memref<!tpu.dma_semaphore, #tpu.memory_space<semaphore_mem>>) src(%arg9 : memref<128x16xf32, #tpu.memory_space<vmem>>) dst(%dma_wait3A_49 : memref<10112x16xf32, #tpu.memory_space<vmem_shared>>)
      %add3A_50 = arith.constant 4 : i32
      %add3A_51 = arith.addi %add3A_44, %add3A_50 : i32
      %lt3A = arith.constant 80 : i32
      %lt3A_52 = arith.cmpi slt, %add3A_51, %lt3A : i32
      %convert_element_type3A = arith.extui %lt3A_52 : i1 to i32
      %cond3A = arith.constant 0 : i32
      %cond3A_53 = arith.cmpi ne, %convert_element_type3A, %cond3A : i32
      scf.if %cond3A_53 {
        %add3A_99 = arith.constant 4 : i32
        %add3A_100 = arith.addi %add3A_44, %add3A_99 : i32
        %dma_start3A_101 = arith.constant 0 : i32
        %dma_start3A_102 = tpu.memref_slice %arg8[%add3A_100, %dma_start3A_101] : memref<80x128xi32, #tpu.memory_space<vmem>> -> memref<1x128xi32, #tpu.memory_space<vmem>>
        %dma_start3A_103 = tpu.memref_squeeze %dma_start3A_102 : memref<1x128xi32, #tpu.memory_space<vmem>> -> memref<128xi32, #tpu.memory_space<vmem>>
        %dma_start3A_104 = arith.constant 0 : i32
        %dma_start3A_105 = arith.constant 0 : i32
        %dma_start3A_106 = tpu.memref_slice %arg21[%dma_start3A_104, %dma_start3A_105] : memref<10112x16xf32, #tpu.memory_space<vmem_shared>> -> memref<10112x16xf32, #tpu.memory_space<vmem_shared>>
        tpu.enqueue_indirect_dma source(%arg9 : memref<128x16xf32, #tpu.memory_space<vmem>>) target(%dma_start3A_106 : memref<10112x16xf32, #tpu.memory_space<vmem_shared>>) offsets(%dma_start3A_103 : memref<128xi32, #tpu.memory_space<vmem>>) semaphore(%arg17 : memref<!tpu.dma_semaphore, #tpu.memory_space<semaphore_mem>>) {add = true}
      } else {
      }
      %add3A_54 = arith.constant 1 : i32
      %add3A_55 = arith.addi %mul3A_42, %add3A_54 : i32
      %dma_wait3A_56 = arith.constant 0 : i32
      %dma_wait3A_57 = tpu.memref_slice %arg8[%add3A_55, %dma_wait3A_56] : memref<80x128xi32, #tpu.memory_space<vmem>> -> memref<1x128xi32, #tpu.memory_space<vmem>>
      %dma_wait3A_58 = tpu.memref_squeeze %dma_wait3A_57 : memref<1x128xi32, #tpu.memory_space<vmem>> -> memref<128xi32, #tpu.memory_space<vmem>>
      %dma_wait3A_59 = arith.constant 0 : i32
      %dma_wait3A_60 = arith.constant 0 : i32
      %dma_wait3A_61 = tpu.memref_slice %arg21[%dma_wait3A_59, %dma_wait3A_60] : memref<10112x16xf32, #tpu.memory_space<vmem_shared>> -> memref<10112x16xf32, #tpu.memory_space<vmem_shared>>
      tpu.wait_indirect_dma semaphore(%arg18 : memref<!tpu.dma_semaphore, #tpu.memory_space<semaphore_mem>>) src(%arg9 : memref<128x16xf32, #tpu.memory_space<vmem>>) dst(%dma_wait3A_61 : memref<10112x16xf32, #tpu.memory_space<vmem_shared>>)
      %add3A_62 = arith.constant 4 : i32
      %add3A_63 = arith.addi %add3A_55, %add3A_62 : i32
      %lt3A_64 = arith.constant 80 : i32
      %lt3A_65 = arith.cmpi slt, %add3A_63, %lt3A_64 : i32
      %convert_element_type3A_66 = arith.extui %lt3A_65 : i1 to i32
      %cond3A_67 = arith.constant 0 : i32
      %cond3A_68 = arith.cmpi ne, %convert_element_type3A_66, %cond3A_67 : i32
      scf.if %cond3A_68 {
        %add3A_99 = arith.constant 4 : i32
        %add3A_100 = arith.addi %add3A_55, %add3A_99 : i32
        %dma_start3A_101 = arith.constant 0 : i32
        %dma_start3A_102 = tpu.memref_slice %arg8[%add3A_100, %dma_start3A_101] : memref<80x128xi32, #tpu.memory_space<vmem>> -> memref<1x128xi32, #tpu.memory_space<vmem>>
        %dma_start3A_103 = tpu.memref_squeeze %dma_start3A_102 : memref<1x128xi32, #tpu.memory_space<vmem>> -> memref<128xi32, #tpu.memory_space<vmem>>
        %dma_start3A_104 = arith.constant 0 : i32
        %dma_start3A_105 = arith.constant 0 : i32
        %dma_start3A_106 = tpu.memref_slice %arg21[%dma_start3A_104, %dma_start3A_105] : memref<10112x16xf32, #tpu.memory_space<vmem_shared>> -> memref<10112x16xf32, #tpu.memory_space<vmem_shared>>
        tpu.enqueue_indirect_dma source(%arg9 : memref<128x16xf32, #tpu.memory_space<vmem>>) target(%dma_start3A_106 : memref<10112x16xf32, #tpu.memory_space<vmem_shared>>) offsets(%dma_start3A_103 : memref<128xi32, #tpu.memory_space<vmem>>) semaphore(%arg18 : memref<!tpu.dma_semaphore, #tpu.memory_space<semaphore_mem>>) {add = true}
      } else {
      }
      %add3A_69 = arith.constant 2 : i32
      %add3A_70 = arith.addi %mul3A_42, %add3A_69 : i32
      %dma_wait3A_71 = arith.constant 0 : i32
      %dma_wait3A_72 = tpu.memref_slice %arg8[%add3A_70, %dma_wait3A_71] : memref<80x128xi32, #tpu.memory_space<vmem>> -> memref<1x128xi32, #tpu.memory_space<vmem>>
      %dma_wait3A_73 = tpu.memref_squeeze %dma_wait3A_72 : memref<1x128xi32, #tpu.memory_space<vmem>> -> memref<128xi32, #tpu.memory_space<vmem>>
      %dma_wait3A_74 = arith.constant 0 : i32
      %dma_wait3A_75 = arith.constant 0 : i32
      %dma_wait3A_76 = tpu.memref_slice %arg21[%dma_wait3A_74, %dma_wait3A_75] : memref<10112x16xf32, #tpu.memory_space<vmem_shared>> -> memref<10112x16xf32, #tpu.memory_space<vmem_shared>>
      tpu.wait_indirect_dma semaphore(%arg19 : memref<!tpu.dma_semaphore, #tpu.memory_space<semaphore_mem>>) src(%arg9 : memref<128x16xf32, #tpu.memory_space<vmem>>) dst(%dma_wait3A_76 : memref<10112x16xf32, #tpu.memory_space<vmem_shared>>)
      %add3A_77 = arith.constant 4 : i32
      %add3A_78 = arith.addi %add3A_70, %add3A_77 : i32
      %lt3A_79 = arith.constant 80 : i32
      %lt3A_80 = arith.cmpi slt, %add3A_78, %lt3A_79 : i32
      %convert_element_type3A_81 = arith.extui %lt3A_80 : i1 to i32
      %cond3A_82 = arith.constant 0 : i32
      %cond3A_83 = arith.cmpi ne, %convert_element_type3A_81, %cond3A_82 : i32
      scf.if %cond3A_83 {
        %add3A_99 = arith.constant 4 : i32
        %add3A_100 = arith.addi %add3A_70, %add3A_99 : i32
        %dma_start3A_101 = arith.constant 0 : i32
        %dma_start3A_102 = tpu.memref_slice %arg8[%add3A_100, %dma_start3A_101] : memref<80x128xi32, #tpu.memory_space<vmem>> -> memref<1x128xi32, #tpu.memory_space<vmem>>
        %dma_start3A_103 = tpu.memref_squeeze %dma_start3A_102 : memref<1x128xi32, #tpu.memory_space<vmem>> -> memref<128xi32, #tpu.memory_space<vmem>>
        %dma_start3A_104 = arith.constant 0 : i32
        %dma_start3A_105 = arith.constant 0 : i32
        %dma_start3A_106 = tpu.memref_slice %arg21[%dma_start3A_104, %dma_start3A_105] : memref<10112x16xf32, #tpu.memory_space<vmem_shared>> -> memref<10112x16xf32, #tpu.memory_space<vmem_shared>>
        tpu.enqueue_indirect_dma source(%arg9 : memref<128x16xf32, #tpu.memory_space<vmem>>) target(%dma_start3A_106 : memref<10112x16xf32, #tpu.memory_space<vmem_shared>>) offsets(%dma_start3A_103 : memref<128xi32, #tpu.memory_space<vmem>>) semaphore(%arg19 : memref<!tpu.dma_semaphore, #tpu.memory_space<semaphore_mem>>) {add = true}
      } else {
      }
      %add3A_84 = arith.constant 3 : i32
      %add3A_85 = arith.addi %mul3A_42, %add3A_84 : i32
      %dma_wait3A_86 = arith.constant 0 : i32
      %dma_wait3A_87 = tpu.memref_slice %arg8[%add3A_85, %dma_wait3A_86] : memref<80x128xi32, #tpu.memory_space<vmem>> -> memref<1x128xi32, #tpu.memory_space<vmem>>
      %dma_wait3A_88 = tpu.memref_squeeze %dma_wait3A_87 : memref<1x128xi32, #tpu.memory_space<vmem>> -> memref<128xi32, #tpu.memory_space<vmem>>
      %dma_wait3A_89 = arith.constant 0 : i32
      %dma_wait3A_90 = arith.constant 0 : i32
      %dma_wait3A_91 = tpu.memref_slice %arg21[%dma_wait3A_89, %dma_wait3A_90] : memref<10112x16xf32, #tpu.memory_space<vmem_shared>> -> memref<10112x16xf32, #tpu.memory_space<vmem_shared>>
      tpu.wait_indirect_dma semaphore(%arg20 : memref<!tpu.dma_semaphore, #tpu.memory_space<semaphore_mem>>) src(%arg9 : memref<128x16xf32, #tpu.memory_space<vmem>>) dst(%dma_wait3A_91 : memref<10112x16xf32, #tpu.memory_space<vmem_shared>>)
      %add3A_92 = arith.constant 4 : i32
      %add3A_93 = arith.addi %add3A_85, %add3A_92 : i32
      %lt3A_94 = arith.constant 80 : i32
      %lt3A_95 = arith.cmpi slt, %add3A_93, %lt3A_94 : i32
      %convert_element_type3A_96 = arith.extui %lt3A_95 : i1 to i32
      %cond3A_97 = arith.constant 0 : i32
      %cond3A_98 = arith.cmpi ne, %convert_element_type3A_96, %cond3A_97 : i32
      scf.if %cond3A_98 {
        %add3A_99 = arith.constant 4 : i32
        %add3A_100 = arith.addi %add3A_85, %add3A_99 : i32
        %dma_start3A_101 = arith.constant 0 : i32
        %dma_start3A_102 = tpu.memref_slice %arg8[%add3A_100, %dma_start3A_101] : memref<80x128xi32, #tpu.memory_space<vmem>> -> memref<1x128xi32, #tpu.memory_space<vmem>>
        %dma_start3A_103 = tpu.memref_squeeze %dma_start3A_102 : memref<1x128xi32, #tpu.memory_space<vmem>> -> memref<128xi32, #tpu.memory_space<vmem>>
        %dma_start3A_104 = arith.constant 0 : i32
        %dma_start3A_105 = arith.constant 0 : i32
        %dma_start3A_106 = tpu.memref_slice %arg21[%dma_start3A_104, %dma_start3A_105] : memref<10112x16xf32, #tpu.memory_space<vmem_shared>> -> memref<10112x16xf32, #tpu.memory_space<vmem_shared>>
        tpu.enqueue_indirect_dma source(%arg9 : memref<128x16xf32, #tpu.memory_space<vmem>>) target(%dma_start3A_106 : memref<10112x16xf32, #tpu.memory_space<vmem_shared>>) offsets(%dma_start3A_103 : memref<128xi32, #tpu.memory_space<vmem>>) semaphore(%arg20 : memref<!tpu.dma_semaphore, #tpu.memory_space<semaphore_mem>>) {add = true}
      } else {
      }
    }
    %scan3A_38 = arith.constant 20 : i32
    %barrier3A_39 = arith.constant 0 : index
    tpu.barrier barrier_id(%barrier3A_39)
    "tpu.region"() ({
      %run_scoped3A = tpu.sem_alloc : memref<!tpu.dma_semaphore, #tpu.memory_space<semaphore_mem>>
      %dma_start3A_40 = arith.constant 0 : i32
      %dma_start3A_41 = arith.constant 0 : i32
      %dma_start3A_42 = tpu.memref_slice %arg6[%arg0, %dma_start3A_40, %dma_start3A_41] : memref<2x10112x16xf32, #tpu.memory_space<hbm>> -> memref<1x10112x16xf32, #tpu.memory_space<hbm>>
      %dma_start3A_43 = tpu.memref_squeeze %dma_start3A_42 : memref<1x10112x16xf32, #tpu.memory_space<hbm>> -> memref<10112x16xf32, #tpu.memory_space<hbm>>
      %dma_start3A_44 = arith.constant 0 : i32
      %dma_start3A_45 = tpu.memref_slice %dma_start3A_43[%mul3A_2, %dma_start3A_44] : memref<10112x16xf32, #tpu.memory_space<hbm>> -> memref<632x16xf32, #tpu.memory_space<hbm>>
      %dma_start3A_46 = arith.constant 0 : i32
      %dma_start3A_47 = tpu.memref_slice %arg21[%mul3A_2, %dma_start3A_46] : memref<10112x16xf32, #tpu.memory_space<vmem_shared>> -> memref<632x16xf32, #tpu.memory_space<vmem_shared>>
      tpu.enqueue_dma source(%dma_start3A_47 : memref<632x16xf32, #tpu.memory_space<vmem_shared>>) target(%dma_start3A_45 : memref<632x16xf32, #tpu.memory_space<hbm>>) target_semaphore(%run_scoped3A : memref<!tpu.dma_semaphore, #tpu.memory_space<semaphore_mem>>)
      %dma_wait3A = arith.constant 0 : i32
      %dma_wait3A_48 = arith.constant 0 : i32
      %dma_wait3A_49 = tpu.memref_slice %arg6[%arg0, %dma_wait3A, %dma_wait3A_48] : memref<2x10112x16xf32, #tpu.memory_space<hbm>> -> memref<1x10112x16xf32, #tpu.memory_space<hbm>>
      %dma_wait3A_50 = tpu.memref_squeeze %dma_wait3A_49 : memref<1x10112x16xf32, #tpu.memory_space<hbm>> -> memref<10112x16xf32, #tpu.memory_space<hbm>>
      %dma_wait3A_51 = arith.constant 0 : i32
      %dma_wait3A_52 = tpu.memref_slice %dma_wait3A_50[%mul3A_2, %dma_wait3A_51] : memref<10112x16xf32, #tpu.memory_space<hbm>> -> memref<632x16xf32, #tpu.memory_space<hbm>>
      %dma_wait3A_53 = arith.constant 0 : i32
      %dma_wait3A_54 = tpu.memref_slice %arg21[%mul3A_2, %dma_wait3A_53] : memref<10112x16xf32, #tpu.memory_space<vmem_shared>> -> memref<632x16xf32, #tpu.memory_space<vmem_shared>>
      tpu.wait_dma2 semaphore(%run_scoped3A : memref<!tpu.dma_semaphore, #tpu.memory_space<semaphore_mem>>) src(%dma_wait3A_54 : memref<632x16xf32, #tpu.memory_space<vmem_shared>>) dst(%dma_wait3A_52 : memref<632x16xf32, #tpu.memory_space<hbm>>)
      tpu.yield
    }) : () -> ()
    return
  }
}

module attributes {stable_mosaic.version = 14 : i64} {
  func.func @body(%arg0: i32, %arg1: memref<1000x128xf32, #tpu.memory_space<vmem>>, %arg2: memref<128x128xf32, #tpu.memory_space<vmem>>, %arg3: memref<1000x128xf32, #tpu.memory_space<vmem>>) attributes {dimension_semantics = [#tpu.dimension_semantics<arbitrary>], iteration_bounds = array<i64: 10>, scalar_prefetch = 0 : i64, scratch_operands = 0 : i64, tpu.core_type = #tpu.core_type<tc>, window_params = [{transform_indices = @transform_0, window_bounds = array<i64: 1000, 128>}, {pipeline_mode = #tpu.pipeline_mode<synchronous>, transform_indices = @transform_1, window_bounds = array<i64: 128, 128>}, {transform_indices = @transform_2, window_bounds = array<i64: 1000, 128>}]} {
    %get3A = arith.constant 0 : index
    %get3A_0 = arith.constant 0 : index
    %get3A_1 = vector.load %arg1[%get3A, %get3A_0] : memref<1000x128xf32, #tpu.memory_space<vmem>>, vector<1000x128xf32>
    %get3A_2 = arith.constant 0 : index
    %get3A_3 = arith.constant 0 : index
    %get3A_4 = vector.load %arg2[%get3A_2, %get3A_3] : memref<128x128xf32, #tpu.memory_space<vmem>>, vector<128x128xf32>
    %dot_general3A = arith.constant dense<0.000000e+00> : vector<1000x128xf32>
    %dot_general3A_5 = tpu.matmul %get3A_1, %get3A_4, %dot_general3A {dimension_numbers = #tpu.dot_dimension_numbers<[1], [0], [0], [1], [0, 0, 1, 1], [], []>, transpose_lhs_hint = false} : vector<1000x128xf32>, vector<128x128xf32>, vector<1000x128xf32> -> vector<1000x128xf32>
    %swap3A = arith.constant 0 : index
    %swap3A_6 = arith.constant 0 : index
    %swap3A_7 = vector.load %arg3[%swap3A, %swap3A_6] : memref<1000x128xf32, #tpu.memory_space<vmem>>, vector<1000x128xf32>
    tpu.vector_store %arg3[%swap3A, %swap3A_6], %dot_general3A_5 {strides = array<i32>} : memref<1000x128xf32, #tpu.memory_space<vmem>>, vector<1000x128xf32>,
    return
  }
  func.func @transform_0(%arg0: i32) -> (i32, i32) {
    %c0_i32 = arith.constant 0 : i32
    %c0_i32_0 = arith.constant 0 : i32
    return %arg0, %c0_i32 : i32, i32
  }
  func.func @transform_1(%arg0: i32) -> (i32, i32) {
    %c0_i32 = arith.constant 0 : i32
    %c0_i32_0 = arith.constant 0 : i32
    %c0_i32_1 = arith.constant 0 : i32
    return %c0_i32, %c0_i32_0 : i32, i32
  }
  func.func @transform_2(%arg0: i32) -> (i32, i32) {
    %c0_i32 = arith.constant 0 : i32
    %c0_i32_0 = arith.constant 0 : i32
    return %arg0, %c0_i32 : i32, i32
  }
}

module attributes {stable_mosaic.version = 14 : i64} {
  func.func @body(%arg0: i32, %arg1: memref<1000x128xf32, #tpu.memory_space<vmem>>, %arg2: memref<2x1000x16xf32, #tpu.memory_space<vmem>>, %arg3: memref<2x1000x64xf32, #tpu.memory_space<vmem>>, %arg4: memref<1000x1xf32, #tpu.memory_space<vmem>>) attributes {dimension_semantics = [#tpu.dimension_semantics<arbitrary>], iteration_bounds = array<i64: 10>, scalar_prefetch = 0 : i64, scratch_operands = 0 : i64, tpu.core_type = #tpu.core_type<tc>, window_params = [{transform_indices = @transform_0, window_bounds = array<i64: 1000, 128>}, {transform_indices = @transform_1, window_bounds = array<i64: 2, 1000, 16>}, {transform_indices = @transform_2, window_bounds = array<i64: 2, 1000, 64>}, {transform_indices = @transform_3, window_bounds = array<i64: 1000, 1>}]} {
    %get3A = arith.constant 0 : index
    %get3A_0 = arith.constant 0 : index
    %get3A_1 = arith.constant 0 : index
    %get3A_2 = vector.load %arg2[%get3A, %get3A_0, %get3A_1] : memref<2x1000x16xf32, #tpu.memory_space<vmem>>, vector<1x1000x1xf32>
    %get3A_3 = vector.shape_cast %get3A_2 : vector<1x1000x1xf32> to vector<1000x1xf32>
    %get3A_4 = arith.constant 1 : index
    %get3A_5 = arith.constant 0 : index
    %get3A_6 = arith.constant 0 : index
    %get3A_7 = vector.load %arg2[%get3A_4, %get3A_5, %get3A_6] : memref<2x1000x16xf32, #tpu.memory_space<vmem>>, vector<1x1000x1xf32>
    %get3A_8 = vector.shape_cast %get3A_7 : vector<1x1000x1xf32> to vector<1000x1xf32>
    %add3A = arith.addf %get3A_3, %get3A_8 : vector<1000x1xf32>
    %add3A_9 = arith.constant 1.000000e+00 : f32
    %add3A_10 = vector.broadcast %add3A_9 : f32 to vector<1000x1xf32>
    %add3A_11 = arith.addf %add3A, %add3A_10 : vector<1000x1xf32>
    %rsqrt3A = math.rsqrt %add3A_11 : vector<1000x1xf32>
    %get3A_12 = arith.constant 0 : index
    %get3A_13 = arith.constant 0 : index
    %get3A_14 = vector.load %arg1[%get3A_12, %get3A_13] : memref<1000x128xf32, #tpu.memory_space<vmem>>, vector<1000x128xf32>
    %mul3A = vector.broadcast %rsqrt3A : vector<1000x1xf32> to vector<1000x128xf32>
    %mul3A_15 = arith.mulf %get3A_14, %mul3A : vector<1000x128xf32>
    %slice3A = vector.extract_strided_slice %mul3A_15 {offsets = [0, 0], sizes = [1000, 64], strides = [1, 1]} : vector<1000x128xf32> to vector<1000x64xf32>
    %swap3A = arith.constant 0 : index
    %swap3A_16 = arith.constant 0 : index
    %swap3A_17 = arith.constant 0 : index
    %swap3A_18 = vector.load %arg3[%swap3A, %swap3A_16, %swap3A_17] : memref<2x1000x64xf32, #tpu.memory_space<vmem>>, vector<1x1000x64xf32>
    %swap3A_19 = vector.shape_cast %swap3A_18 : vector<1x1000x64xf32> to vector<1000x64xf32>
    %swap3A_20 = vector.shape_cast %slice3A : vector<1000x64xf32> to vector<1x1000x64xf32>
    tpu.vector_store %arg3[%swap3A, %swap3A_16, %swap3A_17], %swap3A_20 {strides = array<i32>} : memref<2x1000x64xf32, #tpu.memory_space<vmem>>, vector<1x1000x64xf32>,
    %slice3A_21 = vector.extract_strided_slice %mul3A_15 {offsets = [0, 64], sizes = [1000, 64], strides = [1, 1]} : vector<1000x128xf32> to vector<1000x64xf32>
    %swap3A_22 = arith.constant 1 : index
    %swap3A_23 = arith.constant 0 : index
    %swap3A_24 = arith.constant 0 : index
    %swap3A_25 = vector.load %arg3[%swap3A_22, %swap3A_23, %swap3A_24] : memref<2x1000x64xf32, #tpu.memory_space<vmem>>, vector<1x1000x64xf32>
    %swap3A_26 = vector.shape_cast %swap3A_25 : vector<1x1000x64xf32> to vector<1000x64xf32>
    %swap3A_27 = vector.shape_cast %slice3A_21 : vector<1000x64xf32> to vector<1x1000x64xf32>
    tpu.vector_store %arg3[%swap3A_22, %swap3A_23, %swap3A_24], %swap3A_27 {strides = array<i32>} : memref<2x1000x64xf32, #tpu.memory_space<vmem>>, vector<1x1000x64xf32>,
    %swap3A_28 = arith.constant 0 : index
    %swap3A_29 = arith.constant 0 : index
    %swap3A_30 = vector.load %arg4[%swap3A_28, %swap3A_29] : memref<1000x1xf32, #tpu.memory_space<vmem>>, vector<1000x1xf32>
    tpu.vector_store %arg4[%swap3A_28, %swap3A_29], %rsqrt3A {strides = array<i32>} : memref<1000x1xf32, #tpu.memory_space<vmem>>, vector<1000x1xf32>,
    return
  }
  func.func @transform_0(%arg0: i32) -> (i32, i32) {
    %c0_i32 = arith.constant 0 : i32
    %c0_i32_0 = arith.constant 0 : i32
    return %arg0, %c0_i32 : i32, i32
  }
  func.func @transform_1(%arg0: i32) -> (i32, i32, i32) {
    %c0_i32 = arith.constant 0 : i32
    %c0_i32_0 = arith.constant 0 : i32
    %c0_i32_1 = arith.constant 0 : i32
    return %c0_i32, %arg0, %c0_i32_0 : i32, i32, i32
  }
  func.func @transform_2(%arg0: i32) -> (i32, i32, i32) {
    %c0_i32 = arith.constant 0 : i32
    %c0_i32_0 = arith.constant 0 : i32
    %c0_i32_1 = arith.constant 0 : i32
    return %c0_i32, %arg0, %c0_i32_0 : i32, i32, i32
  }
  func.func @transform_3(%arg0: i32) -> (i32, i32) {
    %c0_i32 = arith.constant 0 : i32
    %c0_i32_0 = arith.constant 0 : i32
    return %arg0, %c0_i32 : i32, i32
  }
}

module attributes {stable_mosaic.version = 14 : i64} {
  func.func @body(%arg0: i32, %arg1: memref<2x1000x64xf32, #tpu.memory_space<vmem>>, %arg2: memref<2x1000x64xf32, #tpu.memory_space<vmem>>, %arg3: memref<1000x1xf32, #tpu.memory_space<vmem>>, %arg4: memref<1x128xf32, #tpu.memory_space<vmem>>, %arg5: memref<128x8xf32, #tpu.memory_space<vmem>>, %arg6: memref<1000x8xf32, #tpu.memory_space<vmem>>) attributes {dimension_semantics = [#tpu.dimension_semantics<arbitrary>], iteration_bounds = array<i64: 10>, scalar_prefetch = 0 : i64, scratch_operands = 0 : i64, tpu.core_type = #tpu.core_type<tc>, window_params = [{transform_indices = @transform_0, window_bounds = array<i64: 2, 1000, 64>}, {transform_indices = @transform_1, window_bounds = array<i64: 2, 1000, 64>}, {transform_indices = @transform_2, window_bounds = array<i64: 1000, 1>}, {pipeline_mode = #tpu.pipeline_mode<synchronous>, transform_indices = @transform_3, window_bounds = array<i64: 1, 128>}, {pipeline_mode = #tpu.pipeline_mode<synchronous>, transform_indices = @transform_4, window_bounds = array<i64: 128, 8>}, {transform_indices = @transform_5, window_bounds = array<i64: 1000, 8>}]} {
    %get3A = arith.constant 0 : index
    %get3A_0 = arith.constant 0 : index
    %get3A_1 = vector.load %arg3[%get3A, %get3A_0] : memref<1000x1xf32, #tpu.memory_space<vmem>>, vector<1000x1xf32>
    %get3A_2 = arith.constant 0 : index
    %get3A_3 = arith.constant 0 : index
    %get3A_4 = arith.constant 0 : index
    %get3A_5 = vector.load %arg1[%get3A_2, %get3A_3, %get3A_4] : memref<2x1000x64xf32, #tpu.memory_space<vmem>>, vector<1x1000x64xf32>
    %get3A_6 = vector.shape_cast %get3A_5 : vector<1x1000x64xf32> to vector<1000x64xf32>
    %get3A_7 = arith.constant 0 : index
    %get3A_8 = arith.constant 0 : index
    %get3A_9 = arith.constant 0 : index
    %get3A_10 = vector.load %arg2[%get3A_7, %get3A_8, %get3A_9] : memref<2x1000x64xf32, #tpu.memory_space<vmem>>, vector<1x1000x64xf32>
    %get3A_11 = vector.shape_cast %get3A_10 : vector<1x1000x64xf32> to vector<1000x64xf32>
    %add3A = arith.addf %get3A_6, %get3A_11 : vector<1000x64xf32>
    %mul3A = vector.broadcast %get3A_1 : vector<1000x1xf32> to vector<1000x64xf32>
    %mul3A_12 = arith.mulf %add3A, %mul3A : vector<1000x64xf32>
    %get3A_13 = arith.constant 1 : index
    %get3A_14 = arith.constant 0 : index
    %get3A_15 = arith.constant 0 : index
    %get3A_16 = vector.load %arg1[%get3A_13, %get3A_14, %get3A_15] : memref<2x1000x64xf32, #tpu.memory_space<vmem>>, vector<1x1000x64xf32>
    %get3A_17 = vector.shape_cast %get3A_16 : vector<1x1000x64xf32> to vector<1000x64xf32>
    %get3A_18 = arith.constant 1 : index
    %get3A_19 = arith.constant 0 : index
    %get3A_20 = arith.constant 0 : index
    %get3A_21 = vector.load %arg2[%get3A_18, %get3A_19, %get3A_20] : memref<2x1000x64xf32, #tpu.memory_space<vmem>>, vector<1x1000x64xf32>
    %get3A_22 = vector.shape_cast %get3A_21 : vector<1x1000x64xf32> to vector<1000x64xf32>
    %add3A_23 = arith.addf %get3A_17, %get3A_22 : vector<1000x64xf32>
    %mul3A_24 = vector.broadcast %get3A_1 : vector<1000x1xf32> to vector<1000x64xf32>
    %mul3A_25 = arith.mulf %add3A_23, %mul3A_24 : vector<1000x64xf32>
    %concatenate3A = tpu.concatenate %mul3A_12, %mul3A_25 in 1 : vector<1000x64xf32>, vector<1000x64xf32> -> vector<1000x128xf32>
    %get3A_26 = arith.constant 0 : index
    %get3A_27 = arith.constant 0 : index
    %get3A_28 = vector.load %arg4[%get3A_26, %get3A_27] : memref<1x128xf32, #tpu.memory_space<vmem>>, vector<1x128xf32>
    %add3A_29 = vector.broadcast %get3A_28 : vector<1x128xf32> to vector<1000x128xf32>
    %add3A_30 = arith.addf %concatenate3A, %add3A_29 : vector<1000x128xf32>
    %max3A = arith.constant 0.000000e+00 : f32
    %max3A_31 = vector.broadcast %max3A : f32 to vector<1000x128xf32>
    %max3A_32 = arith.maximumf %add3A_30, %max3A_31 : vector<1000x128xf32>
    %get3A_33 = arith.constant 0 : index
    %get3A_34 = arith.constant 0 : index
    %get3A_35 = vector.load %arg5[%get3A_33, %get3A_34] : memref<128x8xf32, #tpu.memory_space<vmem>>, vector<128x8xf32>
    %dot_general3A = arith.constant dense<0.000000e+00> : vector<1000x8xf32>
    %dot_general3A_36 = tpu.matmul %max3A_32, %get3A_35, %dot_general3A {dimension_numbers = #tpu.dot_dimension_numbers<[1], [0], [0], [1], [0, 0, 1, 1], [], []>, transpose_lhs_hint = false} : vector<1000x128xf32>, vector<128x8xf32>, vector<1000x8xf32> -> vector<1000x8xf32>
    %mul3A_37 = vector.broadcast %get3A_1 : vector<1000x1xf32> to vector<1000x8xf32>
    %mul3A_38 = arith.mulf %dot_general3A_36, %mul3A_37 : vector<1000x8xf32>
    %swap3A = arith.constant 0 : index
    %swap3A_39 = arith.constant 0 : index
    %swap3A_40 = vector.load %arg6[%swap3A, %swap3A_39] : memref<1000x8xf32, #tpu.memory_space<vmem>>, vector<1000x8xf32>
    tpu.vector_store %arg6[%swap3A, %swap3A_39], %mul3A_38 {strides = array<i32>} : memref<1000x8xf32, #tpu.memory_space<vmem>>, vector<1000x8xf32>,
    return
  }
  func.func @transform_0(%arg0: i32) -> (i32, i32, i32) {
    %c0_i32 = arith.constant 0 : i32
    %c0_i32_0 = arith.constant 0 : i32
    %c0_i32_1 = arith.constant 0 : i32
    return %c0_i32, %arg0, %c0_i32_0 : i32, i32, i32
  }
  func.func @transform_1(%arg0: i32) -> (i32, i32, i32) {
    %c0_i32 = arith.constant 0 : i32
    %c0_i32_0 = arith.constant 0 : i32
    %c0_i32_1 = arith.constant 0 : i32
    return %c0_i32, %arg0, %c0_i32_0 : i32, i32, i32
  }
  func.func @transform_2(%arg0: i32) -> (i32, i32) {
    %c0_i32 = arith.constant 0 : i32
    %c0_i32_0 = arith.constant 0 : i32
    return %arg0, %c0_i32 : i32, i32
  }
  func.func @transform_3(%arg0: i32) -> (i32, i32) {
    %c0_i32 = arith.constant 0 : i32
    %c0_i32_0 = arith.constant 0 : i32
    %c0_i32_1 = arith.constant 0 : i32
    return %c0_i32, %c0_i32_0 : i32, i32
  }
  func.func @transform_4(%arg0: i32) -> (i32, i32) {
    %c0_i32 = arith.constant 0 : i32
    %c0_i32_0 = arith.constant 0 : i32
    %c0_i32_1 = arith.constant 0 : i32
    return %c0_i32, %c0_i32_0 : i32, i32
  }
  func.func @transform_5(%arg0: i32) -> (i32, i32) {
    %c0_i32 = arith.constant 0 : i32
    %c0_i32_0 = arith.constant 0 : i32
    return %arg0, %c0_i32 : i32, i32
  }
}

module attributes {stable_mosaic.version = 14 : i64} {
  func.func @body(%arg0: i32, %arg1: memref<2x1000x8xf32, #tpu.memory_space<vmem>>, %arg2: memref<1000x8xf32, #tpu.memory_space<vmem>>, %arg3: memref<1000x1xf32, #tpu.memory_space<vmem>>, %arg4: memref<1x8xf32, #tpu.memory_space<vmem>>, %arg5: memref<1000x2xf32, #tpu.memory_space<vmem>>) attributes {dimension_semantics = [#tpu.dimension_semantics<arbitrary>], iteration_bounds = array<i64: 10>, scalar_prefetch = 0 : i64, scratch_operands = 0 : i64, tpu.core_type = #tpu.core_type<tc>, window_params = [{transform_indices = @transform_0, window_bounds = array<i64: 2, 1000, 8>}, {transform_indices = @transform_1, window_bounds = array<i64: 1000, 8>}, {transform_indices = @transform_2, window_bounds = array<i64: 1000, 1>}, {pipeline_mode = #tpu.pipeline_mode<synchronous>, transform_indices = @transform_3, window_bounds = array<i64: 1, 8>}, {transform_indices = @transform_4, window_bounds = array<i64: 1000, 2>}]} {
    %get3A = arith.constant 0 : index
    %get3A_0 = arith.constant 0 : index
    %get3A_1 = arith.constant 0 : index
    %get3A_2 = vector.load %arg1[%get3A, %get3A_0, %get3A_1] : memref<2x1000x8xf32, #tpu.memory_space<vmem>>, vector<1x1000x8xf32>
    %get3A_3 = vector.shape_cast %get3A_2 : vector<1x1000x8xf32> to vector<1000x8xf32>
    %get3A_4 = arith.constant 1 : index
    %get3A_5 = arith.constant 0 : index
    %get3A_6 = arith.constant 0 : index
    %get3A_7 = vector.load %arg1[%get3A_4, %get3A_5, %get3A_6] : memref<2x1000x8xf32, #tpu.memory_space<vmem>>, vector<1x1000x8xf32>
    %get3A_8 = vector.shape_cast %get3A_7 : vector<1x1000x8xf32> to vector<1000x8xf32>
    %add3A = arith.addf %get3A_3, %get3A_8 : vector<1000x8xf32>
    %get3A_9 = arith.constant 0 : index
    %get3A_10 = arith.constant 0 : index
    %get3A_11 = vector.load %arg2[%get3A_9, %get3A_10] : memref<1000x8xf32, #tpu.memory_space<vmem>>, vector<1000x8xf32>
    %add3A_12 = arith.addf %add3A, %get3A_11 : vector<1000x8xf32>
    %get3A_13 = arith.constant 0 : index
    %get3A_14 = arith.constant 0 : index
    %get3A_15 = vector.load %arg3[%get3A_13, %get3A_14] : memref<1000x1xf32, #tpu.memory_space<vmem>>, vector<1000x1xf32>
    %mul3A = vector.broadcast %get3A_15 : vector<1000x1xf32> to vector<1000x8xf32>
    %mul3A_16 = arith.mulf %add3A_12, %mul3A : vector<1000x8xf32>
    %get3A_17 = arith.constant 0 : index
    %get3A_18 = arith.constant 0 : index
    %get3A_19 = vector.load %arg4[%get3A_17, %get3A_18] : memref<1x8xf32, #tpu.memory_space<vmem>>, vector<1x8xf32>
    %add3A_20 = vector.broadcast %get3A_19 : vector<1x8xf32> to vector<1000x8xf32>
    %add3A_21 = arith.addf %mul3A_16, %add3A_20 : vector<1000x8xf32>
    %slice3A = vector.extract_strided_slice %add3A_21 {offsets = [0, 0], sizes = [1000, 2], strides = [1, 1]} : vector<1000x8xf32> to vector<1000x2xf32>
    %swap3A = arith.constant 0 : index
    %swap3A_22 = arith.constant 0 : index
    %swap3A_23 = vector.load %arg5[%swap3A, %swap3A_22] : memref<1000x2xf32, #tpu.memory_space<vmem>>, vector<1000x2xf32>
    tpu.vector_store %arg5[%swap3A, %swap3A_22], %slice3A {strides = array<i32>} : memref<1000x2xf32, #tpu.memory_space<vmem>>, vector<1000x2xf32>,
    return
  }
  func.func @transform_0(%arg0: i32) -> (i32, i32, i32) {
    %c0_i32 = arith.constant 0 : i32
    %c0_i32_0 = arith.constant 0 : i32
    %c0_i32_1 = arith.constant 0 : i32
    return %c0_i32, %arg0, %c0_i32_0 : i32, i32, i32
  }
  func.func @transform_1(%arg0: i32) -> (i32, i32) {
    %c0_i32 = arith.constant 0 : i32
    %c0_i32_0 = arith.constant 0 : i32
    return %arg0, %c0_i32 : i32, i32
  }
  func.func @transform_2(%arg0: i32) -> (i32, i32) {
    %c0_i32 = arith.constant 0 : i32
    %c0_i32_0 = arith.constant 0 : i32
    return %arg0, %c0_i32 : i32, i32
  }
  func.func @transform_3(%arg0: i32) -> (i32, i32) {
    %c0_i32 = arith.constant 0 : i32
    %c0_i32_0 = arith.constant 0 : i32
    %c0_i32_1 = arith.constant 0 : i32
    return %c0_i32, %c0_i32_0 : i32, i32
  }
  func.func @transform_4(%arg0: i32) -> (i32, i32) {
    %c0_i32 = arith.constant 0 : i32
    %c0_i32_0 = arith.constant 0 : i32
    return %arg0, %c0_i32 : i32, i32
  }
}

</mosaic_0001>

<sc_bundles>
// kernel: kernel.12.cloned.1.call-start
scs
__scs_entry_jumppad:
0x0: {  	(pc) =	sbr.rel $0x88, $3  }
0x1: {  	(tag) =	ssettag $0x0;
	lr =	simm.s32 $0x1  }
0x2: {  	[smem:$0x3F9B] =	sst lr;
	_ =	strace $0xD0000000  }
0x3: {  	_ = 	snop  }
0x4: {  	_ = 	snop  }
0x5: {  	_ = 	snop  }
0x6: {  	_ = 	snop  }
0x7: {  	_ = 	snop  }
__scs_overlays_trampoline_lowered:
0x8: {  	[smem:$0x3FAA] =	sst s0  }
0x9: {  	[smem:$0x3FAB] =	sst s1  }
0xa: {  	[smem:$0x3FAC] =	sst s2  }
0xb: {  	[smem:$0x3FAD] =	sst s3  }
0xc: {  	[smem:$0x3FAE] =	sst s4  }
0xd: {  	[smem:$0x3FAF] =	sst s5  }
0xe: {  	[smem:$0x3FB0] =	sst s6  }
0xf: {  	[smem:$0x3FB1] =	sst s7  }
0x10: {  	[smem:$0x3FB2] =	sst s8  }
0x11: {  	[smem:$0x3FB3] =	sst s9;
	s0 =	simm.s32 @!p0 $0x0  }
0x12: {  	s1 =	sld [smem:$0x3F99];
	s0 =	simm.s32 @p0 $0x1  }
0x13: {  	[smem:$0x3FB4] =	sst s0;
	s0 =	simm.s32 @!p1 $0x0  }
0x14: {  	s2 =	sld [smem:$0x3F98];
	s0 =	simm.s32 @p1 $0x1  }
0x15: {  	[smem:$0x3FB5] =	sst s0;
	s0 =	simm.s32 @!p2 $0x0  }
0x16: {  	s3 =	sld [smem:$0x3FDB];
	s0 =	simm.s32 @p2 $0x1  }
0x17: {  	s4 =	simm.s32 $0x1BF5;
	[smem:$0x3FB7] =	sst s0  }
0x18: {  	s0 =	sld [smem:$0x3F9A];
	_ =	swait.ge [sflag:s4], $0x0  }
0x19: {  	s7 =	sld [smem:$0x3F9B]  }
0x1a: {  	s8 =	sadd.s32 $0xFFFFE003, lr  }
0x1b: {  	s9 =	sadd.s32 $0xFFFFFEF7, lr;
	s5 =	simm.s32 $0xFFFFFFFF;
	p2 =	slt.u32 s8, $0xFFFFF086  }
0x1c: {  	p1 =	slt.u32 s9, $0xF7A;
	s5 =	simm.s32 @!p2 $0x0  }
0x1d: {  	s5 =	simm.s32 @p1 $0x1;
	p0 =	seq.s32 s7, s2  }
0x1e: {  	s7 =	smul.u32 @!p0 $0xF7A, s2;
	p2 =	seq.s32 @!p0 s5, $0x0  }
0x1f: {  	s9 =	smul.u32 $0xF7A, s1;
	s8 =	simm.s32 @!p0 $0x1BF5;
	p2 =	por !p2, p0  }
0x20: {  	[sflag:s8] =	ssyncset.s32 @!p0 $0xFFFFF086;
	s6 =	sadd.s32 @!p0 s3, s7;
	s7 =	simm.s32 @!p0 $0x108  }
0x21: {  	s3 =	sadd.s32 s3, s9;
	s6 =	sadd.s32 @!p0 $0x88, s6;
	s7 =	simm.s32 @p2 $0x1082  }
0x22: {  	[simem:s7], [sflag:s8] =	dma.local @!p0 [hbm:s6], $0xF7A  }
0x23: {  	s9 =	sor.u32 $0xD0000000, s2;
	s6 =	simm.s32 $0x108;
	_ =	swait.ge @!p0 [sflag:s8], $0x0  }
0x24: {  	s3 =	sadd.s32 $0x88, s3;
	s6 =	simm.s32 @!p1 $0x1082;
	[sflag:s4] =	ssyncset.s32 $0xFFFFF086  }
0x25: {  	[simem:s6], [sflag:s4] =	dma.local [hbm:s3], $0xF7A  }
0x26: {  	[smem:$0x3F9B] =	sst s1;
	(tag) =	ssettag s2;
	_ =	strace s9  }
0x27: {  	s1 =	sld [smem:$0x3FAB]  }
0x28: {  	s2 =	sld [smem:$0x3FAC]  }
0x29: {  	s4 =	sld [smem:$0x3FAE]  }
0x2a: {  	p0 =	seq.s32 s5, $0x0;
	s5 =	sld [smem:$0x3FAF]  }
0x2b: {  	s6 =	sld [smem:$0x3FB0]  }
0x2c: {  	s7 =	sld [smem:$0x3FB1]  }
0x2d: {  	s3 =	simm.s32 $0x108;
	s8 =	sld [smem:$0x3FB2]  }
0x2e: {  	s3 =	simm.s32 @!p0 $0x1082;
	s9 =	sld [smem:$0x3FB3]  }
0x2f: {  	lr =	sadd.s32 s0, s3;
	s0 =	sld [smem:$0x3FAA]  }
0x30: {  	s3 =	sld [smem:$0x3FAD]  }
0x31: {  	[smem:$0x3FB6] =	sst s10  }
0x32: {  	s10 =	sld [smem:$0x3FB4];
	_ =	sdelay $0x3  }
0x33: {  	p0 =	seq.s32 s10, $0x1;
	s10 =	sld [smem:$0x3FB6];
	_ =	sdelay $0x3  }
0x34: {  	[smem:$0x3FB6] =	sst s10  }
0x35: {  	s10 =	sld [smem:$0x3FB5];
	_ =	sdelay $0x3  }
0x36: {  	p1 =	seq.s32 s10, $0x1;
	s10 =	sld [smem:$0x3FB6];
	_ =	sdelay $0x3  }
0x37: {  	[smem:$0x3FB6] =	sst s10  }
0x38: {  	s10 =	sld [smem:$0x3FB7]  }
0x39: {  	_ = 	snop;
	(pc) =	sbr.ind lr, $3  }
0x3a: {  	_ = 	snop  }
0x3b: {  	_ = 	snop  }
0x3c: {  	p2 =	seq.s32 s10, $0x1;
	s10 =	sld [smem:$0x3FB6]  }
0x3d: {  	_ =	shalt  }
0x3e: {  	_ =	shalt  }
0x3f: {  	_ =	shalt  }
0x40: {  	_ =	shalt  }
0x41: {  	_ =	shalt  }
0x42: {  	_ =	shalt  }
0x43: {  	_ =	shalt  }
0x44: {  	_ =	shalt  }
0x45: {  	_ =	shalt  }
0x46: {  	_ =	shalt  }
0x47: {  	_ =	shalt  }
0x48: {  	_ =	shalt  }
0x49: {  	_ =	shalt  }
0x4a: {  	_ =	shalt  }
0x4b: {  	_ =	shalt  }
0x4c: {  	_ =	shalt  }
0x4d: {  	_ =	shalt  }
0x4e: {  	_ =	shalt  }
0x4f: {  	_ =	shalt  }
0x50: {  	_ =	shalt  }
0x51: {  	_ =	shalt  }
0x52: {  	_ =	shalt  }
0x53: {  	_ =	shalt  }
0x54: {  	_ =	shalt  }
0x55: {  	_ =	shalt  }
0x56: {  	_ =	shalt  }
0x57: {  	_ =	shalt  }
0x58: {  	_ =	shalt  }
0x59: {  	_ =	shalt  }
0x5a: {  	_ =	shalt  }
0x5b: {  	_ =	shalt  }
0x5c: {  	_ =	shalt  }
0x5d: {  	_ =	shalt  }
0x5e: {  	_ =	shalt  }
0x5f: {  	_ =	shalt  }
0x60: {  	_ =	shalt  }
0x61: {  	_ =	shalt  }
0x62: {  	_ =	shalt  }
0x63: {  	_ =	shalt  }
0x64: {  	_ =	shalt  }
0x65: {  	_ =	shalt  }
0x66: {  	_ =	shalt  }
0x67: {  	_ =	shalt  }
0x68: {  	_ =	shalt  }
0x69: {  	_ =	shalt  }
0x6a: {  	_ =	shalt  }
0x6b: {  	_ =	shalt  }
0x6c: {  	_ =	shalt  }
0x6d: {  	_ =	shalt  }
0x6e: {  	_ =	shalt  }
0x6f: {  	_ =	shalt  }
0x70: {  	_ =	shalt  }
0x71: {  	_ =	shalt  }
0x72: {  	_ =	shalt  }
0x73: {  	_ =	shalt  }
0x74: {  	_ =	shalt  }
0x75: {  	_ =	shalt  }
0x76: {  	_ =	shalt  }
0x77: {  	_ =	shalt  }
0x78: {  	_ =	shalt  }
0x79: {  	_ =	shalt  }
0x7a: {  	_ =	shalt  }
0x7b: {  	_ =	shalt  }
0x7c: {  	_ =	shalt  }
0x7d: {  	_ =	shalt  }
0x7e: {  	_ =	shalt  }
0x7f: {  	_ =	shalt  }
0x80: {  	_ =	shalt  }
0x81: {  	_ =	shalt  }
0x82: {  	_ =	shalt  }
0x83: {  	_ =	shalt  }
0x84: {  	_ =	shalt  }
0x85: {  	_ =	shalt  }
0x86: {  	_ =	shalt  }
0x87: {  	_ =	shalt  }
.Lfunc_end0:
.L_simem_size_0:
called_computation.1_lowered:
.L_overlay_start_0:
0x88: {  	s2 =	sld [smem:$0x3FD9]  }
0x89: {  	s3 =	sld [smem:$0x3FFE];
	_ =	sdelay $0x1  }
0x8a: {  	s1 =	srdreg.scid  }
0x8b: {  	s0 =	sand.u32 $0x1, s1  }
0x8c: {  	s16 =	sshll.u32 s0, $0xA;
	s2 =	sadd.s32 s3, s2  }
0x8d: {  	s2 =	sadd.s32 s2, s16  }
0x8e: {  	[smem:$0x3FC2] =	sst s2  }
0x8f: {  	_ = 	snop  }
0x90: {  	(tm) =	ssettm $0x1  }
0x91: {  	s17 =	sld [smem:$0x3FFB];
	_ =	sdelay $0x3  }
0x92: {  	_ =	strace s17  }
0x93: {  	s2 =	sld [smem:$0x3FFC];
	_ =	sdelay $0x3  }
0x94: {  	_ =	strace s2  }
0x95: {  	s2 =	sld [smem:$0x3FFD];
	_ =	sdelay $0x3  }
0x96: {  	_ =	strace s2  }
0x97: {  	_ =	strace $0x8FFFFFFF  }
0x98: {  	s18 =	sld [smem:$0x3FDB];
	_ =	sdelay $0x1  }
0x99: {  	s19 =	simm.s32 $_scs_section_size  }
0x9a: {  	s4 =	simm.s32 $_size__tile_overlayer_lowered;
	s5 =	simm.s32 $_tile_overlayer_lowered  }
0x9b: {  	s22 =	simm.s32 $0x1BFF;
	s21 =	sshll.u32 s5, $0x1;
	s2 =	sadd.s32 s19, s18  }
0x9c: {  	s6 =	simm.s32 $0x0;
	s20 =	sshll.u32 s4, $0x1;
	s4 =	sadd.s32 s21, s2  }
0x9d: {  	[timem:s6], [sflag:s22] =	dma.local [hbm:s4], s20  }
0x9e: {  	_ =	swait.ge [sflag:s22], s20  }
0x9f: {  	s3 =	ssub.s32 $0x0, s20;
	[sflag:s22] =	ssyncset.done $0x0  }
0xa0: {  	[sflag:s22] =	ssyncadd.s32 s3;
	_ =	sdelay $0x1  }
0xa1: {  	s23 =	simm.s32 $0x1B8B  }
0xa2: {  	_ =	swait.ge [sflag:s23], $0x1  }
0xa3: {  	[sflag:s23] =	ssyncset.done $0x0  }
0xa4: {  	s25 =	simm.s32 $0x1B8E;
	s24 =	sld [smem:$0x3FFE];
	[sflag:s23] =	ssyncadd.s32 $0xFFFFFFFF  }
0xa5: {  	s26 =	simm.s32 $execute0_lowered;
	[smem:$0x3FD2] =	sst s25  }
0xa6: {  	s4 =	sshll.u32 s26, $0x1;
	_ =	strace $0x80000049;
	[dreg:$0x1] =	wrdreg $0xFFFFFFFF  }
0xa7: {  	s28 =	simm.s32 $_size_execute0_lowered;
	s2 =	sadd.s32 s2, s4;
	[dreg:$0x0] =	wrdreg $0x0  }
0xa8: {  	s4 =	sshll.u32 s28, $0x1;
	[dreg:$0x2] =	wrdreg s2  }
0xa9: {  	[dreg:$0x3] =	wrdreg s4  }
0xaa: {  	[dreg:$0x4] =	wrdreg $0xC0  }
0xab: {  	_ =	task [dreg:s6], $0x5FFFF  }
0xac: {  	[dreg:$0x1] =	wrdreg $0xFFFFFFFF  }
0xad: {  	[dreg:$0x0] =	wrdreg $0x60  }
0xae: {  	[dreg:$0x2] =	wrdreg s24  }
0xaf: {  	[dreg:$0x3] =	wrdreg $0x140000  }
0xb0: {  	[dreg:$0x4] =	wrdreg $0x9  }
0xb1: {  	_ =	task.clear_ibuf [dreg:s6], $0x5FFFF;
	_ =	strace $0x90000049  }
0xb2: {  	s29 =	simm.s32 $0x9;
	_ =	strace $0x8000004B  }
0xb3: {  	_ =	swait.ge [sflag:s29], $0x1  }
0xb4: {  	[sflag:s29] =	ssyncadd.s32 $0xFFFFFFFF  }
0xb5: {  	_ =	strace $0x9000004B  }
0xb6: {  	_ =	sfence  }
0xb7: {  	s30 =	sld [smem:$0x0];
	_ =	sdelay $0x2  }
0xb8: {  	s31 =	sshll.u32 s1, $0xD;
	s1 =	sshrl.u32 s1, $0x2  }
0xb9: {  	s3 =	sand.u32 $0x4000, s31;
	s1 =	sadd.s32 s1, s30  }
0xba: {  	s0 =	sor.u32 s3, s0;
	s1 =	sshll.u32 s1, $0x11  }
0xbb: {  	s0 =	sor.u32 s1, s0  }
0xbc: {  	s0 =	sadd.s32 $0x8F2B, s0  }
0xbd: {  	[sflag:s0] =	ssyncadd.remote.s32 $0x1  }
0xbe: {  	_ =	sfence.sel $0xFFFF  }
0xbf: {  	[dreg:$0x0] =	wrdreg $0xFFFFFFFF;
	(pc) =	sbr.abs _section_cstart, $3  }
0xc0: {  	[dreg:$0x1] =	wrdreg $0xFFFFFFFF  }
0xc1: {  	_ =	task.clear_ibuf [dreg:s6], $0x2FFFF;
	_ =	strace $0x9FFFFFFF  }
0xc2: {  	(tm) =	ssettm $0x7FFFFFFF  }
0xc3: {  	_ =	shalt  }
tec
execute0_lowered:
.L_overlay_start_1:
0x0: {  	(tag) =	ssettag $0x1  }
0x1: {  	s0 =	rddreg [dreg:$0x0];
	s1 =	srdreg.scid  }
0x2: {  	s2 =	rddreg [dreg:$0x1];
	s9 =	stileid.u32  }
0x3: {  	s3 =	simm.s32 $0x0;
	s11 =	simm.s32 $0xB;
	s13 =	simm.s32 $0x80  }
0x4: {  	s14 =	simm.s32 $0xA000;
	s15 =	simm.s32 $0xC000;
	s17 =	simm.s32 $0xE000  }
0x5: {  	s19 =	simm.s32 $0x10000;
	s21 =	simm.s32 $0x12000;
	s22 =	simm.s32 $0x1  }
0x6: {  	s28 =	simm.s32 $0x5;
	s29 =	simm.s32 $0x6;
	s30 =	simm.s32 $0x7  }
0x7: {  	s31 =	simm.s32 $0x8;
	s16 =	simm.s32 $0x0;
	s5 =	smul.u32 $0xA00, s9  }
0x8: {  	s1 =	sand.u32 $0x1, s1;
	[smem:$0x7FF] =	sst s3;
	s6 =	smul.u32 $0x9E00, s9  }
0x9: {  	s26 =	sshll.u32 s9, $0x6;
	s4 =	smul.u32 $0x13880, s1;
	_ =	strace $0x8000004A  }
0xa: {  	s23 =	smul.u32 $0x13C00, s1;
	s1 =	ssub.s32 $0x2, s1;
	s7 =	sadd.s32 s5, s0  }
0xb: {  	s12 =	sshrl.u32 s6, $0x3;
	s25 =	sshrl.u32 s1, $0x1;
	s10 =	sadd.s32 s6, s2  }
0xc: {  	s5 =	sor.u32 $0x1C0B, s26;
	s26 =	simm.s32 $0x4;
	s8 =	sadd.s32 s4, s0  }
0xd: {  	s24 =	sadd.s32 s12, s0;
	s0 =	sadd.s32 s23, s0;
	s1 =	ssub.s32 s1, s25  }
0xe: {  	s6 =	sadd.s32 $0xB600, s7;
	s7 =	sadd.s32 $0x1600, s7;
	s10 =	sshrl.u32 s10, $0x3  }
0xf: {  	s23 =	simm.s32 $0x2;
	s25 =	simm.s32 $0x3;
	s4 =	sadd.s32 $0x3C800, s24  }
0x10: {  	s8 =	sadd.s32 $0x15600, s8;
	s0 =	sadd.s32 $0x50400, s0;
	s9 =	smax.u32 s1, $0x1  }
0x11: {  	s1 =	simm.s32 $0xA;
	s24 =	sadd.s32 s12, s0;
	s0 =	simm.s32 $0x9  }
.LBB2_1:
0x12: {  	[spmem:s10], [sflag:s5] =	dma.local [hbm:s4], $0x13C0  }
0x13: {  	_ =	swait.ge [sflag:s11], $0x13C0  }
0x14: {  	[sflag:s11] =	ssyncset.done $0x0  }
0x15: {  	[sflag:s11] =	ssyncadd.s32 $0xFFFFEC40  }
0x16: {  	[tilespmem:s3], [sflag:$0xB] =	stream.linear.gather [hbm4b:s6+s3], $0x5000, $0x38;
	[tilespmem:$0x1DE00] =	vst v63  }
0x17: {  	_ =	swait.ge [sflag:s11], $0x5000  }
0x18: {  	[sflag:s11] =	ssyncset.done $0x0  }
0x19: {  	s12 =	simm.s32 $0x5000;
	[sflag:s11] =	ssyncadd.s32 $0xFFFFB000  }
0x1a: {  	[tilespmem:s12], [sflag:$0xB] =	stream.linear.gather [hbm4b:s7+s3], $0x5000, $0x38;
	[tilespmem:$0x1DE00] =	vst v63  }
0x1b: {  	_ =	swait.ge [sflag:s11], $0x5000  }
0x1c: {  	[sflag:s11] =	ssyncset.done $0x0  }
0x1d: {  	[sflag:s11] =	ssyncadd.s32 $0xFFFFB000  }
0x1e: {  	[bflag:$0x0] =	sbarrier.arrive $0xFFFF  }
0x1f: {  	[tilespmem:s14], [sflag:$0x1] =	stream.indirect.gather [hbm4b:s8+s13], $0x40, s3, s13, $0xb8;
	[tilespmem:$0x1DE00] =	vst v63  }
0x20: {  	_ = 	snop  }
0x21: {  	[tilespmem:s15], [sflag:$0x2] =	stream.indirect.gather [hbm4b:s8+s13], $0x40, s13, s13, $0xb8;
	[tilespmem:$0x1DE00] =	vst v63  }
0x22: {  	s20 =	simm.s32 $0x100  }
0x23: {  	[tilespmem:s17], [sflag:$0x3] =	stream.indirect.gather [hbm4b:s8+s13], $0x40, s20, s13, $0xb8;
	[tilespmem:$0x1DE00] =	vst v63  }
0x24: {  	s18 =	simm.s32 $0x180  }
0x25: {  	[tilespmem:s19], [sflag:$0x4] =	stream.indirect.gather [hbm4b:s8+s13], $0x40, s18, s13, $0xb8;
	[tilespmem:$0x1DE00] =	vst v63  }
0x26: {  	s20 =	simm.s32 $0x200  }
0x27: {  	[tilespmem:s21], [sflag:$0x5] =	stream.indirect.gather [hbm4b:s8+s13], $0x40, s20, s13, $0xb8;
	[tilespmem:$0x1DE00] =	vst v63  }
0x28: {  	_ =	swait.ge [sflag:s22], $0x2000  }
0x29: {  	[sflag:s22] =	ssyncset.done $0x0  }
0x2a: {  	s18 =	simm.s32 $0x5000;
	[sflag:s22] =	ssyncadd.s32 $0xFFFFE000  }
0x2b: {  	[spmem:s2] =	stream.indirect.scatter.add.f32 [tilespmem:s14], [sflag:$0x6], $0x40, s18, s13, $0xb8;
	[tilespmem:$0x1DE00] =	vst v63  }
0x2c: {  	_ =	swait.ge [sflag:s23], $0x2000  }
0x2d: {  	[sflag:s23] =	ssyncset.done $0x0  }
0x2e: {  	s12 =	simm.s32 $0x5080;
	[sflag:s23] =	ssyncadd.s32 $0xFFFFE000  }
0x2f: {  	[spmem:s2] =	stream.indirect.scatter.add.f32 [tilespmem:s15], [sflag:$0x7], $0x40, s12, s13, $0xb8;
	[tilespmem:$0x1DE00] =	vst v63  }
0x30: {  	_ =	swait.ge [sflag:s25], $0x2000  }
0x31: {  	[sflag:s25] =	ssyncset.done $0x0  }
0x32: {  	s20 =	simm.s32 $0x5100;
	[sflag:s25] =	ssyncadd.s32 $0xFFFFE000  }
0x33: {  	[spmem:s2] =	stream.indirect.scatter.add.f32 [tilespmem:s17], [sflag:$0x8], $0x40, s20, s13, $0xb8;
	[tilespmem:$0x1DE00] =	vst v63  }
0x34: {  	_ =	swait.ge [sflag:s26], $0x2000  }
0x35: {  	[sflag:s26] =	ssyncset.done $0x0  }
0x36: {  	s12 =	simm.s32 $0x5180;
	[sflag:s26] =	ssyncadd.s32 $0xFFFFE000  }
0x37: {  	[spmem:s2] =	stream.indirect.scatter.add.f32 [tilespmem:s19], [sflag:$0x9], $0x40, s12, s13, $0xb8;
	[tilespmem:$0x1DE00] =	vst v63  }
0x38: {  	_ =	swait.ge [sflag:s28], $0x2000  }
0x39: {  	[sflag:s28] =	ssyncset.done $0x0  }
0x3a: {  	s20 =	simm.s32 $0x5200;
	[sflag:s28] =	ssyncadd.s32 $0xFFFFE000  }
0x3b: {  	[spmem:s2] =	stream.indirect.scatter.add.f32 [tilespmem:s21], [sflag:$0xA], $0x40, s20, s13, $0xb8;
	[tilespmem:$0x1DE00] =	vst v63  }
0x3c: {  	_ =	swait.ge [sflag:s29], $0x2000  }
0x3d: {  	[sflag:s29] =	ssyncset.done $0x0  }
0x3e: {  	s12 =	simm.s32 $0x280;
	[sflag:s29] =	ssyncadd.s32 $0xFFFFE000  }
0x3f: {  	[tilespmem:s14], [sflag:$0x1] =	stream.indirect.gather [hbm4b:s8+s13], $0x40, s12, s13, $0xb8;
	[tilespmem:$0x1DE00] =	vst v63  }
0x40: {  	_ =	swait.ge [sflag:s30], $0x2000  }
0x41: {  	[sflag:s30] =	ssyncset.done $0x0  }
0x42: {  	s20 =	simm.s32 $0x300;
	[sflag:s30] =	ssyncadd.s32 $0xFFFFE000  }
0x43: {  	[tilespmem:s15], [sflag:$0x2] =	stream.indirect.gather [hbm4b:s8+s13], $0x40, s20, s13, $0xb8;
	[tilespmem:$0x1DE00] =	vst v63  }
0x44: {  	_ =	swait.ge [sflag:s31], $0x2000  }
0x45: {  	[sflag:s31] =	ssyncset.done $0x0  }
0x46: {  	s12 =	simm.s32 $0x380;
	[sflag:s31] =	ssyncadd.s32 $0xFFFFE000  }
0x47: {  	[tilespmem:s17], [sflag:$0x3] =	stream.indirect.gather [hbm4b:s8+s13], $0x40, s12, s13, $0xb8;
	[tilespmem:$0x1DE00] =	vst v63  }
0x48: {  	_ =	swait.ge [sflag:s0], $0x2000  }
0x49: {  	[sflag:s0] =	ssyncset.done $0x0  }
0x4a: {  	s20 =	simm.s32 $0x400;
	[sflag:s0] =	ssyncadd.s32 $0xFFFFE000  }
0x4b: {  	[tilespmem:s19], [sflag:$0x4] =	stream.indirect.gather [hbm4b:s8+s13], $0x40, s20, s13, $0xb8;
	[tilespmem:$0x1DE00] =	vst v63  }
0x4c: {  	_ =	swait.ge [sflag:s1], $0x2000  }
0x4d: {  	[sflag:s1] =	ssyncset.done $0x0  }
0x4e: {  	s18 =	simm.s32 $0xA00;
	s20 =	simm.s32 $0x480;
	[sflag:s1] =	ssyncadd.s32 $0xFFFFE000  }
.LBB2_2:
0x4f: {  	[tilespmem:s21], [sflag:$0x5] =	stream.indirect.gather [hbm4b:s8+s13], $0x40, s20, s13, $0xb8;
	[tilespmem:$0x1DE00] =	vst v63  }
0x50: {  	s20 =	smov.u32 s18  }
0x51: {  	p0 =	sne.s32 s18, $0x12C00;
	s18 =	sadd.s32 $0xA00, s18;
	_ =	swait.ge [sflag:s22], $0x2000  }
0x52: {  	s20 =	sshra.s32 s20, $0x2;
	[sflag:s22] =	ssyncset.done $0x0  }
0x53: {  	s12 =	sadd.s32 $0x5000, s20;
	[sflag:s22] =	ssyncadd.s32 $0xFFFFE000  }
0x54: {  	[spmem:s2] =	stream.indirect.scatter.add.f32 [tilespmem:s14], [sflag:$0x6], $0x40, s12, s13, $0xb8;
	[tilespmem:$0x1DE00] =	vst v63  }
0x55: {  	_ =	swait.ge [sflag:s23], $0x2000  }
0x56: {  	[sflag:s23] =	ssyncset.done $0x0  }
0x57: {  	s12 =	sadd.s32 $0x5080, s20;
	[sflag:s23] =	ssyncadd.s32 $0xFFFFE000  }
0x58: {  	[spmem:s2] =	stream.indirect.scatter.add.f32 [tilespmem:s15], [sflag:$0x7], $0x40, s12, s13, $0xb8;
	[tilespmem:$0x1DE00] =	vst v63  }
0x59: {  	_ =	swait.ge [sflag:s25], $0x2000  }
0x5a: {  	[sflag:s25] =	ssyncset.done $0x0  }
0x5b: {  	s12 =	sadd.s32 $0x5100, s20;
	[sflag:s25] =	ssyncadd.s32 $0xFFFFE000  }
0x5c: {  	[spmem:s2] =	stream.indirect.scatter.add.f32 [tilespmem:s17], [sflag:$0x8], $0x40, s12, s13, $0xb8;
	[tilespmem:$0x1DE00] =	vst v63  }
0x5d: {  	_ =	swait.ge [sflag:s26], $0x2000  }
0x5e: {  	[sflag:s26] =	ssyncset.done $0x0  }
0x5f: {  	s12 =	sadd.s32 $0x5180, s20;
	[sflag:s26] =	ssyncadd.s32 $0xFFFFE000  }
0x60: {  	[spmem:s2] =	stream.indirect.scatter.add.f32 [tilespmem:s19], [sflag:$0x9], $0x40, s12, s13, $0xb8;
	[tilespmem:$0x1DE00] =	vst v63  }
0x61: {  	_ =	swait.ge [sflag:s28], $0x2000  }
0x62: {  	[sflag:s28] =	ssyncset.done $0x0  }
0x63: {  	s12 =	sadd.s32 $0x5200, s20;
	[sflag:s28] =	ssyncadd.s32 $0xFFFFE000  }
0x64: {  	[spmem:s2] =	stream.indirect.scatter.add.f32 [tilespmem:s21], [sflag:$0xA], $0x40, s12, s13, $0xb8;
	[tilespmem:$0x1DE00] =	vst v63  }
0x65: {  	_ =	swait.ge [sflag:s29], $0x2000  }
0x66: {  	[sflag:s29] =	ssyncset.done $0x0  }
0x67: {  	s12 =	sadd.s32 $0x280, s20;
	[sflag:s29] =	ssyncadd.s32 $0xFFFFE000  }
0x68: {  	[tilespmem:s14], [sflag:$0x1] =	stream.indirect.gather [hbm4b:s8+s13], $0x40, s12, s13, $0xb8;
	[tilespmem:$0x1DE00] =	vst v63  }
0x69: {  	_ =	swait.ge [sflag:s30], $0x2000  }
0x6a: {  	[sflag:s30] =	ssyncset.done $0x0  }
0x6b: {  	s12 =	sadd.s32 $0x300, s20;
	[sflag:s30] =	ssyncadd.s32 $0xFFFFE000  }
0x6c: {  	[tilespmem:s15], [sflag:$0x2] =	stream.indirect.gather [hbm4b:s8+s13], $0x40, s12, s13, $0xb8;
	[tilespmem:$0x1DE00] =	vst v63  }
0x6d: {  	_ =	swait.ge [sflag:s31], $0x2000  }
0x6e: {  	[sflag:s31] =	ssyncset.done $0x0  }
0x6f: {  	s12 =	sadd.s32 $0x380, s20;
	[sflag:s31] =	ssyncadd.s32 $0xFFFFE000  }
0x70: {  	[tilespmem:s17], [sflag:$0x3] =	stream.indirect.gather [hbm4b:s8+s13], $0x40, s12, s13, $0xb8;
	[tilespmem:$0x1DE00] =	vst v63  }
0x71: {  	_ =	swait.ge [sflag:s0], $0x2000  }
0x72: {  	[sflag:s0] =	ssyncset.done $0x0  }
.Ltmp0:
0x73: {  	s12 =	sadd.s32 $0x400, s20;
	[sflag:s0] =	ssyncadd.s32 $0xFFFFE000;
	(pc) =	sbr.rel @p0 .LBB2_2-.Ltmp0, $4  }
0x74: {  	[tilespmem:s19], [sflag:$0x4] =	stream.indirect.gather [hbm4b:s8+s13], $0x40, s12, s13, $0xb8;
	[tilespmem:$0x1DE00] =	vst v63  }
0x75: {  	_ =	swait.ge [sflag:s1], $0x2000  }
0x76: {  	[sflag:s1] =	ssyncset.done $0x0  }
0x77: {  	s20 =	sadd.s32 $0x480, s20;
	[sflag:s1] =	ssyncadd.s32 $0xFFFFE000  }
0x78: {  	[tilespmem:s21], [sflag:$0x5] =	stream.indirect.gather [hbm4b:s8+s13], $0x40, s20, s13, $0xb8;
	[tilespmem:$0x1DE00] =	vst v63  }
0x79: {  	_ =	swait.ge [sflag:s22], $0x2000  }
0x7a: {  	[sflag:s22] =	ssyncset.done $0x0  }
0x7b: {  	s12 =	simm.s32 $0x9D80;
	[sflag:s22] =	ssyncadd.s32 $0xFFFFE000  }
0x7c: {  	[spmem:s2] =	stream.indirect.scatter.add.f32 [tilespmem:s14], [sflag:$0x6], $0x40, s12, s13, $0xb8;
	[tilespmem:$0x1DE00] =	vst v63  }
0x7d: {  	_ =	swait.ge [sflag:s23], $0x2000  }
0x7e: {  	[sflag:s23] =	ssyncset.done $0x0  }
0x7f: {  	s18 =	simm.s32 $0x9E00;
	[sflag:s23] =	ssyncadd.s32 $0xFFFFE000  }
0x80: {  	[spmem:s2] =	stream.indirect.scatter.add.f32 [tilespmem:s15], [sflag:$0x7], $0x40, s18, s13, $0xb8;
	[tilespmem:$0x1DE00] =	vst v63  }
0x81: {  	_ =	swait.ge [sflag:s25], $0x2000  }
0x82: {  	[sflag:s25] =	ssyncset.done $0x0  }
0x83: {  	s20 =	simm.s32 $0x9E80;
	[sflag:s25] =	ssyncadd.s32 $0xFFFFE000  }
0x84: {  	[spmem:s2] =	stream.indirect.scatter.add.f32 [tilespmem:s17], [sflag:$0x8], $0x40, s20, s13, $0xb8;
	[tilespmem:$0x1DE00] =	vst v63  }
0x85: {  	_ =	swait.ge [sflag:s26], $0x2000  }
0x86: {  	[sflag:s26] =	ssyncset.done $0x0  }
0x87: {  	s18 =	simm.s32 $0x9F00;
	[sflag:s26] =	ssyncadd.s32 $0xFFFFE000  }
0x88: {  	[spmem:s2] =	stream.indirect.scatter.add.f32 [tilespmem:s19], [sflag:$0x9], $0x40, s18, s13, $0xb8;
	[tilespmem:$0x1DE00] =	vst v63  }
0x89: {  	_ =	swait.ge [sflag:s28], $0x2000  }
0x8a: {  	[sflag:s28] =	ssyncset.done $0x0  }
0x8b: {  	s20 =	simm.s32 $0x9F80;
	[sflag:s28] =	ssyncadd.s32 $0xFFFFE000  }
0x8c: {  	[spmem:s2] =	stream.indirect.scatter.add.f32 [tilespmem:s21], [sflag:$0xA], $0x40, s20, s13, $0xb8;
	[tilespmem:$0x1DE00] =	vst v63  }
0x8d: {  	_ =	swait.ge [sflag:s29], $0x2000  }
0x8e: {  	[sflag:s29] =	ssyncset.done $0x0  }
0x8f: {  	[sflag:s29] =	ssyncadd.s32 $0xFFFFE000  }
0x90: {  	_ =	swait.ge [sflag:s30], $0x2000  }
0x91: {  	[sflag:s30] =	ssyncset.done $0x0  }
0x92: {  	[sflag:s30] =	ssyncadd.s32 $0xFFFFE000  }
0x93: {  	_ =	swait.ge [sflag:s31], $0x2000  }
0x94: {  	[sflag:s31] =	ssyncset.done $0x0  }
0x95: {  	[sflag:s31] =	ssyncadd.s32 $0xFFFFE000  }
0x96: {  	_ =	swait.ge [sflag:s0], $0x2000  }
0x97: {  	[sflag:s0] =	ssyncset.done $0x0  }
0x98: {  	[sflag:s0] =	ssyncadd.s32 $0xFFFFE000  }
0x99: {  	_ =	swait.ge [sflag:s1], $0x2000  }
0x9a: {  	s16 =	sadd.s32 $0x1, s16;
	[sflag:s1] =	ssyncset.done $0x0  }
0x9b: {  	p0 =	sne.s32 s16, s9;
	[sflag:s1] =	ssyncadd.s32 $0xFFFFE000  }
.Ltmp1:
0x9c: {  	[bflag:$0x0] =	sbarrier.arrive $0xFFFF;
	(pc) =	sbr.rel @p0 .LBB2_1-.Ltmp1, $4  }
0x9d: {  	[hbm:s24], [sflag:s5] =	dma.local [spmem:s10], $0x13C0  }
0x9e: {  	_ =	swait.ge [sflag:s11], $0x13C0  }
0x9f: {  	[sflag:s11] =	ssyncset.done $0x0  }
0xa0: {  	[sflag:s11] =	ssyncadd.s32 $0xFFFFEC40  }
0xa1: {  	_ =	sfence.sel $0x180000  }
0xa2: {  	[bflag:$0x0] =	sbarrier.arrive $0xFFFF  }
0xa3: {  	_ =	strace $0x9000004A  }
0xa4: {  	s0 =	stileid.u32;
	[bflag:$0x2] =	sbarrier.arrive $0xFFFF  }
0xa5: {  	p0 =	sne.s32 s0, $0x0;
	s0 =	rddreg [dreg:$0x2]  }
0xa6: {  	s0 =	sadd.s32 @!p0 $0x100000, s0  }
0xa7: {  	[sflag:s0] =	ssyncadd.tile.s32 @!p0 $0x1;
	_ =	shalt  }
.Lfunc_end2:
_tile_overlayer_lowered:
.L_overlay_start_2:
0xa8: {  	(tag) =	ssettag $0x2  }
0xa9: {  	s0 =	rddreg [dreg:$0x0];
	s2 =	stileid.u32  }
0xaa: {  	s1 =	rddreg [dreg:$0x1];
	p0 =	sne.s32 s2, $0x0  }
0xab: {  	s3 =	rddreg [dreg:$0x2];
	[bflag:$0x3] =	sbarrier.arrive $0xFFFF;
	s2 =	simm.s32 @!p0 $0x1C0B  }
0xac: {  	[timem:s3], [sflag:s2] =	dma.local @!p0 [hbm:s0], s1  }
0xad: {  	s0 =	simm.s32 @!p0 $0xB  }
0xae: {  	_ =	swait.ge @!p0 [sflag:s0], s1  }
0xaf: {  	s1 =	ssub.s32 @!p0 $0x0, s1;
	[sflag:s0] =	ssyncset.done @!p0 $0x0  }
0xb0: {  	[sflag:s0] =	ssyncadd.s32 @!p0 s1  }
0xb1: {  	[bflag:$0x3] =	sbarrier.arrive $0xFFFF  }
0xb2: {  	_ =	shalt  }

// kernel: kernel.15.cloned.1.call-start
scs
__scs_entry_jumppad:
0x0: {  	(pc) =	sbr.rel $0x88, $3  }
0x1: {  	(tag) =	ssettag $0x0;
	lr =	simm.s32 $0x1  }
0x2: {  	[smem:$0x3F9B] =	sst lr;
	_ =	strace $0xD0000000  }
0x3: {  	_ = 	snop  }
0x4: {  	_ = 	snop  }
0x5: {  	_ = 	snop  }
0x6: {  	_ = 	snop  }
0x7: {  	_ = 	snop  }
__scs_overlays_trampoline_lowered:
0x8: {  	[smem:$0x3FAA] =	sst s0  }
0x9: {  	[smem:$0x3FAB] =	sst s1  }
0xa: {  	[smem:$0x3FAC] =	sst s2  }
0xb: {  	[smem:$0x3FAD] =	sst s3  }
0xc: {  	[smem:$0x3FAE] =	sst s4  }
0xd: {  	[smem:$0x3FAF] =	sst s5  }
0xe: {  	[smem:$0x3FB0] =	sst s6  }
0xf: {  	[smem:$0x3FB1] =	sst s7  }
0x10: {  	[smem:$0x3FB2] =	sst s8  }
0x11: {  	[smem:$0x3FB3] =	sst s9;
	s0 =	simm.s32 @!p0 $0x0  }
0x12: {  	s1 =	sld [smem:$0x3F99];
	s0 =	simm.s32 @p0 $0x1  }
0x13: {  	[smem:$0x3FB4] =	sst s0;
	s0 =	simm.s32 @!p1 $0x0  }
0x14: {  	s2 =	sld [smem:$0x3F98];
	s0 =	simm.s32 @p1 $0x1  }
0x15: {  	[smem:$0x3FB5] =	sst s0;
	s0 =	simm.s32 @!p2 $0x0  }
0x16: {  	s3 =	sld [smem:$0x3FDB];
	s0 =	simm.s32 @p2 $0x1  }
0x17: {  	s4 =	simm.s32 $0x1BF5;
	[smem:$0x3FB7] =	sst s0  }
0x18: {  	s0 =	sld [smem:$0x3F9A];
	_ =	swait.ge [sflag:s4], $0x0  }
0x19: {  	s7 =	sld [smem:$0x3F9B]  }
0x1a: {  	s8 =	sadd.s32 $0xFFFFE003, lr  }
0x1b: {  	s9 =	sadd.s32 $0xFFFFFEF7, lr;
	s5 =	simm.s32 $0xFFFFFFFF;
	p2 =	slt.u32 s8, $0xFFFFF086  }
0x1c: {  	p1 =	slt.u32 s9, $0xF7A;
	s5 =	simm.s32 @!p2 $0x0  }
0x1d: {  	s5 =	simm.s32 @p1 $0x1;
	p0 =	seq.s32 s7, s2  }
0x1e: {  	s7 =	smul.u32 @!p0 $0xF7A, s2;
	p2 =	seq.s32 @!p0 s5, $0x0  }
0x1f: {  	s9 =	smul.u32 $0xF7A, s1;
	s8 =	simm.s32 @!p0 $0x1BF5;
	p2 =	por !p2, p0  }
0x20: {  	[sflag:s8] =	ssyncset.s32 @!p0 $0xFFFFF086;
	s6 =	sadd.s32 @!p0 s3, s7;
	s7 =	simm.s32 @!p0 $0x108  }
0x21: {  	s3 =	sadd.s32 s3, s9;
	s6 =	sadd.s32 @!p0 $0x88, s6;
	s7 =	simm.s32 @p2 $0x1082  }
0x22: {  	[simem:s7], [sflag:s8] =	dma.local @!p0 [hbm:s6], $0xF7A  }
0x23: {  	s9 =	sor.u32 $0xD0000000, s2;
	s6 =	simm.s32 $0x108;
	_ =	swait.ge @!p0 [sflag:s8], $0x0  }
0x24: {  	s3 =	sadd.s32 $0x88, s3;
	s6 =	simm.s32 @!p1 $0x1082;
	[sflag:s4] =	ssyncset.s32 $0xFFFFF086  }
0x25: {  	[simem:s6], [sflag:s4] =	dma.local [hbm:s3], $0xF7A  }
0x26: {  	[smem:$0x3F9B] =	sst s1;
	(tag) =	ssettag s2;
	_ =	strace s9  }
0x27: {  	s1 =	sld [smem:$0x3FAB]  }
0x28: {  	s2 =	sld [smem:$0x3FAC]  }
0x29: {  	s4 =	sld [smem:$0x3FAE]  }
0x2a: {  	p0 =	seq.s32 s5, $0x0;
	s5 =	sld [smem:$0x3FAF]  }
0x2b: {  	s6 =	sld [smem:$0x3FB0]  }
0x2c: {  	s7 =	sld [smem:$0x3FB1]  }
0x2d: {  	s3 =	simm.s32 $0x108;
	s8 =	sld [smem:$0x3FB2]  }
0x2e: {  	s3 =	simm.s32 @!p0 $0x1082;
	s9 =	sld [smem:$0x3FB3]  }
0x2f: {  	lr =	sadd.s32 s0, s3;
	s0 =	sld [smem:$0x3FAA]  }
0x30: {  	s3 =	sld [smem:$0x3FAD]  }
0x31: {  	[smem:$0x3FB6] =	sst s10  }
0x32: {  	s10 =	sld [smem:$0x3FB4];
	_ =	sdelay $0x3  }
0x33: {  	p0 =	seq.s32 s10, $0x1;
	s10 =	sld [smem:$0x3FB6];
	_ =	sdelay $0x3  }
0x34: {  	[smem:$0x3FB6] =	sst s10  }
0x35: {  	s10 =	sld [smem:$0x3FB5];
	_ =	sdelay $0x3  }
0x36: {  	p1 =	seq.s32 s10, $0x1;
	s10 =	sld [smem:$0x3FB6];
	_ =	sdelay $0x3  }
0x37: {  	[smem:$0x3FB6] =	sst s10  }
0x38: {  	s10 =	sld [smem:$0x3FB7]  }
0x39: {  	_ = 	snop;
	(pc) =	sbr.ind lr, $3  }
0x3a: {  	_ = 	snop  }
0x3b: {  	_ = 	snop  }
0x3c: {  	p2 =	seq.s32 s10, $0x1;
	s10 =	sld [smem:$0x3FB6]  }
0x3d: {  	_ =	shalt  }
0x3e: {  	_ =	shalt  }
0x3f: {  	_ =	shalt  }
0x40: {  	_ =	shalt  }
0x41: {  	_ =	shalt  }
0x42: {  	_ =	shalt  }
0x43: {  	_ =	shalt  }
0x44: {  	_ =	shalt  }
0x45: {  	_ =	shalt  }
0x46: {  	_ =	shalt  }
0x47: {  	_ =	shalt  }
0x48: {  	_ =	shalt  }
0x49: {  	_ =	shalt  }
0x4a: {  	_ =	shalt  }
0x4b: {  	_ =	shalt  }
0x4c: {  	_ =	shalt  }
0x4d: {  	_ =	shalt  }
0x4e: {  	_ =	shalt  }
0x4f: {  	_ =	shalt  }
0x50: {  	_ =	shalt  }
0x51: {  	_ =	shalt  }
0x52: {  	_ =	shalt  }
0x53: {  	_ =	shalt  }
0x54: {  	_ =	shalt  }
0x55: {  	_ =	shalt  }
0x56: {  	_ =	shalt  }
0x57: {  	_ =	shalt  }
0x58: {  	_ =	shalt  }
0x59: {  	_ =	shalt  }
0x5a: {  	_ =	shalt  }
0x5b: {  	_ =	shalt  }
0x5c: {  	_ =	shalt  }
0x5d: {  	_ =	shalt  }
0x5e: {  	_ =	shalt  }
0x5f: {  	_ =	shalt  }
0x60: {  	_ =	shalt  }
0x61: {  	_ =	shalt  }
0x62: {  	_ =	shalt  }
0x63: {  	_ =	shalt  }
0x64: {  	_ =	shalt  }
0x65: {  	_ =	shalt  }
0x66: {  	_ =	shalt  }
0x67: {  	_ =	shalt  }
0x68: {  	_ =	shalt  }
0x69: {  	_ =	shalt  }
0x6a: {  	_ =	shalt  }
0x6b: {  	_ =	shalt  }
0x6c: {  	_ =	shalt  }
0x6d: {  	_ =	shalt  }
0x6e: {  	_ =	shalt  }
0x6f: {  	_ =	shalt  }
0x70: {  	_ =	shalt  }
0x71: {  	_ =	shalt  }
0x72: {  	_ =	shalt  }
0x73: {  	_ =	shalt  }
0x74: {  	_ =	shalt  }
0x75: {  	_ =	shalt  }
0x76: {  	_ =	shalt  }
0x77: {  	_ =	shalt  }
0x78: {  	_ =	shalt  }
0x79: {  	_ =	shalt  }
0x7a: {  	_ =	shalt  }
0x7b: {  	_ =	shalt  }
0x7c: {  	_ =	shalt  }
0x7d: {  	_ =	shalt  }
0x7e: {  	_ =	shalt  }
0x7f: {  	_ =	shalt  }
0x80: {  	_ =	shalt  }
0x81: {  	_ =	shalt  }
0x82: {  	_ =	shalt  }
0x83: {  	_ =	shalt  }
0x84: {  	_ =	shalt  }
0x85: {  	_ =	shalt  }
0x86: {  	_ =	shalt  }
0x87: {  	_ =	shalt  }
.Lfunc_end0:
.L_simem_size_0:
called_computation.2_lowered:
.L_overlay_start_0:
0x88: {  	s2 =	sld [smem:$0x3FD9]  }
0x89: {  	s3 =	sld [smem:$0x3FFE];
	_ =	sdelay $0x1  }
0x8a: {  	s1 =	srdreg.scid  }
0x8b: {  	s0 =	sand.u32 $0x1, s1  }
0x8c: {  	s16 =	sshll.u32 s0, $0xA;
	s2 =	sadd.s32 s3, s2  }
0x8d: {  	s2 =	sadd.s32 s2, s16  }
0x8e: {  	[smem:$0x3FC2] =	sst s2  }
0x8f: {  	_ = 	snop  }
0x90: {  	(tm) =	ssettm $0x1  }
0x91: {  	s17 =	sld [smem:$0x3FFB];
	_ =	sdelay $0x3  }
0x92: {  	_ =	strace s17  }
0x93: {  	s2 =	sld [smem:$0x3FFC];
	_ =	sdelay $0x3  }
0x94: {  	_ =	strace s2  }
0x95: {  	s2 =	sld [smem:$0x3FFD];
	_ =	sdelay $0x3  }
0x96: {  	_ =	strace s2  }
0x97: {  	_ =	strace $0x8FFFFFFF  }
0x98: {  	s18 =	sld [smem:$0x3FDB];
	_ =	sdelay $0x1  }
0x99: {  	s19 =	simm.s32 $_scs_section_size  }
0x9a: {  	s4 =	simm.s32 $_size__tile_overlayer_lowered;
	s5 =	simm.s32 $_tile_overlayer_lowered  }
0x9b: {  	s22 =	simm.s32 $0x1BFF;
	s21 =	sshll.u32 s5, $0x1;
	s2 =	sadd.s32 s19, s18  }
0x9c: {  	s6 =	simm.s32 $0x0;
	s20 =	sshll.u32 s4, $0x1;
	s4 =	sadd.s32 s21, s2  }
0x9d: {  	[timem:s6], [sflag:s22] =	dma.local [hbm:s4], s20  }
0x9e: {  	_ =	swait.ge [sflag:s22], s20  }
0x9f: {  	s3 =	ssub.s32 $0x0, s20;
	[sflag:s22] =	ssyncset.done $0x0  }
0xa0: {  	[sflag:s22] =	ssyncadd.s32 s3;
	_ =	sdelay $0x1  }
0xa1: {  	s23 =	simm.s32 $0x1B8B  }
0xa2: {  	_ =	swait.ge [sflag:s23], $0x1  }
0xa3: {  	[sflag:s23] =	ssyncset.done $0x0  }
0xa4: {  	s25 =	simm.s32 $0x1B8E;
	s24 =	sld [smem:$0x3FFE];
	[sflag:s23] =	ssyncadd.s32 $0xFFFFFFFF  }
0xa5: {  	s26 =	simm.s32 $execute0_lowered;
	[smem:$0x3FD2] =	sst s25  }
0xa6: {  	s4 =	sshll.u32 s26, $0x1;
	_ =	strace $0x8000004C;
	[dreg:$0x1] =	wrdreg $0xFFFFFFFF  }
0xa7: {  	s28 =	simm.s32 $_size_execute0_lowered;
	s2 =	sadd.s32 s2, s4;
	[dreg:$0x0] =	wrdreg $0x0  }
0xa8: {  	s4 =	sshll.u32 s28, $0x1;
	[dreg:$0x2] =	wrdreg s2  }
0xa9: {  	[dreg:$0x3] =	wrdreg s4  }
0xaa: {  	[dreg:$0x4] =	wrdreg $0xC0  }
0xab: {  	_ =	task [dreg:s6], $0x5FFFF  }
0xac: {  	[dreg:$0x1] =	wrdreg $0xFFFFFFFF  }
0xad: {  	[dreg:$0x0] =	wrdreg $0x60  }
0xae: {  	[dreg:$0x2] =	wrdreg s24  }
0xaf: {  	[dreg:$0x3] =	wrdreg $0x60000  }
0xb0: {  	[dreg:$0x4] =	wrdreg $0x9  }
0xb1: {  	_ =	task.clear_ibuf [dreg:s6], $0x5FFFF;
	_ =	strace $0x9000004C  }
0xb2: {  	s29 =	simm.s32 $0x9;
	_ =	strace $0x8000004E  }
0xb3: {  	_ =	swait.ge [sflag:s29], $0x1  }
0xb4: {  	[sflag:s29] =	ssyncadd.s32 $0xFFFFFFFF  }
0xb5: {  	_ =	strace $0x9000004E  }
0xb6: {  	_ =	sfence  }
0xb7: {  	s30 =	sld [smem:$0x0];
	_ =	sdelay $0x2  }
0xb8: {  	s31 =	sshll.u32 s1, $0xD;
	s1 =	sshrl.u32 s1, $0x2  }
0xb9: {  	s3 =	sand.u32 $0x4000, s31;
	s1 =	sadd.s32 s1, s30  }
0xba: {  	s0 =	sor.u32 s3, s0;
	s1 =	sshll.u32 s1, $0x11  }
0xbb: {  	s0 =	sor.u32 s1, s0  }
0xbc: {  	s0 =	sadd.s32 $0x8F2B, s0  }
0xbd: {  	[sflag:s0] =	ssyncadd.remote.s32 $0x1  }
0xbe: {  	_ =	sfence.sel $0xFFFF  }
0xbf: {  	[dreg:$0x0] =	wrdreg $0xFFFFFFFF;
	(pc) =	sbr.abs _section_cstart, $3  }
0xc0: {  	[dreg:$0x1] =	wrdreg $0xFFFFFFFF  }
0xc1: {  	_ =	task.clear_ibuf [dreg:s6], $0x2FFFF;
	_ =	strace $0x9FFFFFFF  }
0xc2: {  	(tm) =	ssettm $0x7FFFFFFF  }
0xc3: {  	_ =	shalt  }
tec
execute0_lowered:
.L_overlay_start_1:
0x0: {  	(tag) =	ssettag $0x1  }
0x1: {  	s0 =	srdreg.scid;
	s1 =	rddreg [dreg:$0x0]  }
0x2: {  	s9 =	stileid.u32;
	s2 =	rddreg [dreg:$0x1]  }
0x3: {  	s11 =	simm.s32 $0x9;
	s13 =	simm.s32 $0x80;
	s14 =	simm.s32 $0x5000  }
0x4: {  	s15 =	simm.s32 $0x5400;
	s17 =	simm.s32 $0x5800;
	s19 =	simm.s32 $0x5C00  }
0x5: {  	s20 =	simm.s32 $0x1;
	s21 =	simm.s32 $0x2;
	s22 =	simm.s32 $0x3  }
0x6: {  	s23 =	simm.s32 $0x4;
	s28 =	simm.s32 $0x7;
	s29 =	simm.s32 $0x8  }
0x7: {  	s31 =	simm.s32 $0x4E80;
	s0 =	sand.u32 $0x1, s0;
	s6 =	smul.u32 $0x13C0, s9  }
0x8: {  	s30 =	sshll.u32 s9, $0x6;
	s3 =	sshll.u32 s0, $0x4;
	s7 =	smul.u32 $0x2780, s0  }
0x9: {  	s0 =	ssub.s32 $0x2, s0;
	s4 =	sor.u32 s9, s3;
	s3 =	simm.s32 $0x0  }
0xa: {  	s12 =	sshrl.u32 s6, $0x3;
	s26 =	sshrl.u32 s0, $0x1;
	s10 =	sadd.s32 s6, s2  }
0xb: {  	s6 =	sor.u32 $0x1C09, s30;
	s5 =	smul.u32 $0x500, s4;
	[smem:$0x7FF] =	sst s3  }
0xc: {  	s4 =	sadd.s32 $0x15600, s1;
	s25 =	sadd.s32 s12, s1;
	s0 =	ssub.s32 s0, s26  }
0xd: {  	s10 =	sshrl.u32 s10, $0x3;
	s26 =	simm.s32 $0x6;
	_ =	strace $0x8000004D  }
0xe: {  	s9 =	smax.u32 s0, $0x1;
	s0 =	simm.s32 $0x4F80;
	s8 =	sadd.s32 s5, s1  }
0xf: {  	s1 =	sadd.s32 s7, s1;
	s5 =	sadd.s32 $0x17E00, s25;
	s25 =	simm.s32 $0x5  }
0x10: {  	s7 =	sadd.s32 $0xB600, s8;
	s8 =	sadd.s32 $0x1600, s8;
	s1 =	sadd.s32 $0x1A600, s1  }
0x11: {  	s24 =	sadd.s32 s12, s1;
	s1 =	simm.s32 $0x4F00;
	s12 =	simm.s32 $0x0  }
.LBB2_1:
0x12: {  	[spmem:s10], [sflag:s6] =	dma.local [hbm:s5], $0x278  }
0x13: {  	_ =	swait.ge [sflag:s11], $0x278  }
0x14: {  	[sflag:s11] =	ssyncset.done $0x0  }
0x15: {  	[sflag:s11] =	ssyncadd.s32 $0xFFFFFD88  }
0x16: {  	[bflag:$0x0] =	sbarrier.arrive $0xFFFF  }
0x17: {  	[tilespmem:s3], [sflag:$0x9] =	stream.linear.gather [hbm4b:s7+s3], $0x2800, $0x38;
	[tilespmem:$0x73C0] =	vst v63  }
0x18: {  	_ =	swait.ge [sflag:s11], $0x2800  }
0x19: {  	[sflag:s11] =	ssyncset.done $0x0  }
0x1a: {  	s16 =	simm.s32 $0x2800;
	[sflag:s11] =	ssyncadd.s32 $0xFFFFD800  }
0x1b: {  	[tilespmem:s16], [sflag:$0x9] =	stream.linear.gather [hbm4b:s8+s3], $0x2800, $0x38;
	[tilespmem:$0x73C0] =	vst v63  }
0x1c: {  	_ =	swait.ge [sflag:s11], $0x2800  }
0x1d: {  	[sflag:s11] =	ssyncset.done $0x0  }
0x1e: {  	[sflag:s11] =	ssyncadd.s32 $0xFFFFD800  }
0x1f: {  	[tilespmem:s14], [sflag:$0x1] =	stream.indirect.gather [hbm4b:s4+s13], $0x8, s3, s13, $0xb8;
	[tilespmem:$0x73C0] =	vst v63  }
0x20: {  	_ = 	snop  }
0x21: {  	[tilespmem:s15], [sflag:$0x2] =	stream.indirect.gather [hbm4b:s4+s13], $0x8, s13, s13, $0xb8;
	[tilespmem:$0x73C0] =	vst v63  }
0x22: {  	s30 =	simm.s32 $0x100  }
0x23: {  	[tilespmem:s17], [sflag:$0x3] =	stream.indirect.gather [hbm4b:s4+s13], $0x8, s30, s13, $0xb8;
	[tilespmem:$0x73C0] =	vst v63  }
0x24: {  	s18 =	simm.s32 $0x180  }
0x25: {  	[tilespmem:s19], [sflag:$0x4] =	stream.indirect.gather [hbm4b:s4+s13], $0x8, s18, s13, $0xb8;
	[tilespmem:$0x73C0] =	vst v63  }
0x26: {  	_ =	swait.ge [sflag:s20], $0x400  }
0x27: {  	[sflag:s20] =	ssyncset.done $0x0  }
0x28: {  	s30 =	simm.s32 $0x2800;
	[sflag:s20] =	ssyncadd.s32 $0xFFFFFC00  }
0x29: {  	[spmem:s2] =	stream.indirect.scatter.add.f32 [tilespmem:s14], [sflag:$0x5], $0x8, s30, s13, $0xb8;
	[tilespmem:$0x73C0] =	vst v63  }
0x2a: {  	_ =	swait.ge [sflag:s21], $0x400  }
0x2b: {  	[sflag:s21] =	ssyncset.done $0x0  }
0x2c: {  	s18 =	simm.s32 $0x2880;
	[sflag:s21] =	ssyncadd.s32 $0xFFFFFC00  }
0x2d: {  	[spmem:s2] =	stream.indirect.scatter.add.f32 [tilespmem:s15], [sflag:$0x6], $0x8, s18, s13, $0xb8;
	[tilespmem:$0x73C0] =	vst v63  }
0x2e: {  	_ =	swait.ge [sflag:s22], $0x400  }
0x2f: {  	[sflag:s22] =	ssyncset.done $0x0  }
0x30: {  	s30 =	simm.s32 $0x2900;
	[sflag:s22] =	ssyncadd.s32 $0xFFFFFC00  }
0x31: {  	[spmem:s2] =	stream.indirect.scatter.add.f32 [tilespmem:s17], [sflag:$0x7], $0x8, s30, s13, $0xb8;
	[tilespmem:$0x73C0] =	vst v63  }
0x32: {  	_ =	swait.ge [sflag:s23], $0x400  }
0x33: {  	[sflag:s23] =	ssyncset.done $0x0  }
0x34: {  	s18 =	simm.s32 $0x2980;
	[sflag:s23] =	ssyncadd.s32 $0xFFFFFC00  }
0x35: {  	[spmem:s2] =	stream.indirect.scatter.add.f32 [tilespmem:s19], [sflag:$0x8], $0x8, s18, s13, $0xb8;
	[tilespmem:$0x73C0] =	vst v63  }
0x36: {  	_ =	swait.ge [sflag:s25], $0x400  }
0x37: {  	[sflag:s25] =	ssyncset.done $0x0  }
0x38: {  	s30 =	simm.s32 $0x200;
	[sflag:s25] =	ssyncadd.s32 $0xFFFFFC00  }
0x39: {  	[tilespmem:s14], [sflag:$0x1] =	stream.indirect.gather [hbm4b:s4+s13], $0x8, s30, s13, $0xb8;
	[tilespmem:$0x73C0] =	vst v63  }
0x3a: {  	_ =	swait.ge [sflag:s26], $0x400  }
0x3b: {  	[sflag:s26] =	ssyncset.done $0x0  }
0x3c: {  	s18 =	simm.s32 $0x280;
	[sflag:s26] =	ssyncadd.s32 $0xFFFFFC00  }
0x3d: {  	[tilespmem:s15], [sflag:$0x2] =	stream.indirect.gather [hbm4b:s4+s13], $0x8, s18, s13, $0xb8;
	[tilespmem:$0x73C0] =	vst v63  }
0x3e: {  	_ =	swait.ge [sflag:s28], $0x400  }
0x3f: {  	[sflag:s28] =	ssyncset.done $0x0  }
0x40: {  	s30 =	simm.s32 $0x300;
	[sflag:s28] =	ssyncadd.s32 $0xFFFFFC00  }
0x41: {  	[tilespmem:s17], [sflag:$0x3] =	stream.indirect.gather [hbm4b:s4+s13], $0x8, s30, s13, $0xb8;
	[tilespmem:$0x73C0] =	vst v63  }
0x42: {  	_ =	swait.ge [sflag:s29], $0x400  }
0x43: {  	[sflag:s29] =	ssyncset.done $0x0  }
0x44: {  	s16 =	simm.s32 $0x800;
	s18 =	simm.s32 $0x380;
	[sflag:s29] =	ssyncadd.s32 $0xFFFFFC00  }
.LBB2_2:
0x45: {  	[tilespmem:s19], [sflag:$0x4] =	stream.indirect.gather [hbm4b:s4+s13], $0x8, s18, s13, $0xb8;
	[tilespmem:$0x73C0] =	vst v63  }
0x46: {  	s18 =	smov.u32 s16  }
0x47: {  	p0 =	sne.s32 s16, $0x9000;
	s16 =	sadd.s32 $0x800, s16;
	_ =	swait.ge [sflag:s20], $0x400  }
0x48: {  	s18 =	sshra.s32 s18, $0x2;
	[sflag:s20] =	ssyncset.done $0x0  }
0x49: {  	s30 =	sadd.s32 $0x2800, s18;
	[sflag:s20] =	ssyncadd.s32 $0xFFFFFC00  }
0x4a: {  	[spmem:s2] =	stream.indirect.scatter.add.f32 [tilespmem:s14], [sflag:$0x5], $0x8, s30, s13, $0xb8;
	[tilespmem:$0x73C0] =	vst v63  }
0x4b: {  	_ =	swait.ge [sflag:s21], $0x400  }
0x4c: {  	[sflag:s21] =	ssyncset.done $0x0  }
0x4d: {  	s30 =	sadd.s32 $0x2880, s18;
	[sflag:s21] =	ssyncadd.s32 $0xFFFFFC00  }
0x4e: {  	[spmem:s2] =	stream.indirect.scatter.add.f32 [tilespmem:s15], [sflag:$0x6], $0x8, s30, s13, $0xb8;
	[tilespmem:$0x73C0] =	vst v63  }
0x4f: {  	_ =	swait.ge [sflag:s22], $0x400  }
0x50: {  	[sflag:s22] =	ssyncset.done $0x0  }
0x51: {  	s30 =	sadd.s32 $0x2900, s18;
	[sflag:s22] =	ssyncadd.s32 $0xFFFFFC00  }
0x52: {  	[spmem:s2] =	stream.indirect.scatter.add.f32 [tilespmem:s17], [sflag:$0x7], $0x8, s30, s13, $0xb8;
	[tilespmem:$0x73C0] =	vst v63  }
0x53: {  	_ =	swait.ge [sflag:s23], $0x400  }
0x54: {  	[sflag:s23] =	ssyncset.done $0x0  }
0x55: {  	s30 =	sadd.s32 $0x2980, s18;
	[sflag:s23] =	ssyncadd.s32 $0xFFFFFC00  }
0x56: {  	[spmem:s2] =	stream.indirect.scatter.add.f32 [tilespmem:s19], [sflag:$0x8], $0x8, s30, s13, $0xb8;
	[tilespmem:$0x73C0] =	vst v63  }
0x57: {  	_ =	swait.ge [sflag:s25], $0x400  }
0x58: {  	[sflag:s25] =	ssyncset.done $0x0  }
0x59: {  	s30 =	sadd.s32 $0x200, s18;
	[sflag:s25] =	ssyncadd.s32 $0xFFFFFC00  }
0x5a: {  	[tilespmem:s14], [sflag:$0x1] =	stream.indirect.gather [hbm4b:s4+s13], $0x8, s30, s13, $0xb8;
	[tilespmem:$0x73C0] =	vst v63  }
0x5b: {  	_ =	swait.ge [sflag:s26], $0x400  }
0x5c: {  	[sflag:s26] =	ssyncset.done $0x0  }
0x5d: {  	s30 =	sadd.s32 $0x280, s18;
	[sflag:s26] =	ssyncadd.s32 $0xFFFFFC00  }
0x5e: {  	[tilespmem:s15], [sflag:$0x2] =	stream.indirect.gather [hbm4b:s4+s13], $0x8, s30, s13, $0xb8;
	[tilespmem:$0x73C0] =	vst v63  }
0x5f: {  	_ =	swait.ge [sflag:s28], $0x400  }
0x60: {  	[sflag:s28] =	ssyncset.done $0x0  }
.Ltmp0:
0x61: {  	s30 =	sadd.s32 $0x300, s18;
	[sflag:s28] =	ssyncadd.s32 $0xFFFFFC00;
	(pc) =	sbr.rel @p0 .LBB2_2-.Ltmp0, $4  }
0x62: {  	[tilespmem:s17], [sflag:$0x3] =	stream.indirect.gather [hbm4b:s4+s13], $0x8, s30, s13, $0xb8;
	[tilespmem:$0x73C0] =	vst v63  }
0x63: {  	_ =	swait.ge [sflag:s29], $0x400  }
0x64: {  	[sflag:s29] =	ssyncset.done $0x0  }
0x65: {  	s18 =	sadd.s32 $0x380, s18;
	[sflag:s29] =	ssyncadd.s32 $0xFFFFFC00  }
0x66: {  	[tilespmem:s19], [sflag:$0x4] =	stream.indirect.gather [hbm4b:s4+s13], $0x8, s18, s13, $0xb8;
	[tilespmem:$0x73C0] =	vst v63  }
0x67: {  	_ =	swait.ge [sflag:s20], $0x400  }
0x68: {  	[sflag:s20] =	ssyncset.done $0x0  }
0x69: {  	s16 =	simm.s32 $0x4E00;
	[sflag:s20] =	ssyncadd.s32 $0xFFFFFC00  }
0x6a: {  	[spmem:s2] =	stream.indirect.scatter.add.f32 [tilespmem:s14], [sflag:$0x5], $0x8, s16, s13, $0xb8;
	[tilespmem:$0x73C0] =	vst v63  }
0x6b: {  	_ =	swait.ge [sflag:s21], $0x400  }
0x6c: {  	[sflag:s21] =	ssyncset.done $0x0  }
0x6d: {  	[sflag:s21] =	ssyncadd.s32 $0xFFFFFC00  }
0x6e: {  	[spmem:s2] =	stream.indirect.scatter.add.f32 [tilespmem:s15], [sflag:$0x6], $0x8, s31, s13, $0xb8;
	[tilespmem:$0x73C0] =	vst v63  }
0x6f: {  	_ =	swait.ge [sflag:s22], $0x400  }
0x70: {  	[sflag:s22] =	ssyncset.done $0x0  }
0x71: {  	[sflag:s22] =	ssyncadd.s32 $0xFFFFFC00  }
0x72: {  	[spmem:s2] =	stream.indirect.scatter.add.f32 [tilespmem:s17], [sflag:$0x7], $0x8, s1, s13, $0xb8;
	[tilespmem:$0x73C0] =	vst v63  }
0x73: {  	_ =	swait.ge [sflag:s23], $0x400  }
0x74: {  	[sflag:s23] =	ssyncset.done $0x0  }
0x75: {  	[sflag:s23] =	ssyncadd.s32 $0xFFFFFC00  }
0x76: {  	[spmem:s2] =	stream.indirect.scatter.add.f32 [tilespmem:s19], [sflag:$0x8], $0x8, s0, s13, $0xb8;
	[tilespmem:$0x73C0] =	vst v63  }
0x77: {  	_ =	swait.ge [sflag:s25], $0x400  }
0x78: {  	[sflag:s25] =	ssyncset.done $0x0  }
0x79: {  	[sflag:s25] =	ssyncadd.s32 $0xFFFFFC00  }
0x7a: {  	_ =	swait.ge [sflag:s26], $0x400  }
0x7b: {  	[sflag:s26] =	ssyncset.done $0x0  }
0x7c: {  	[sflag:s26] =	ssyncadd.s32 $0xFFFFFC00  }
0x7d: {  	_ =	swait.ge [sflag:s28], $0x400  }
0x7e: {  	[sflag:s28] =	ssyncset.done $0x0  }
0x7f: {  	[sflag:s28] =	ssyncadd.s32 $0xFFFFFC00  }
0x80: {  	_ =	swait.ge [sflag:s29], $0x400  }
0x81: {  	s12 =	sadd.s32 $0x1, s12;
	[sflag:s29] =	ssyncset.done $0x0  }
0x82: {  	p0 =	sne.s32 s12, s9;
	[sflag:s29] =	ssyncadd.s32 $0xFFFFFC00  }
.Ltmp1:
0x83: {  	[bflag:$0x0] =	sbarrier.arrive $0xFFFF;
	(pc) =	sbr.rel @p0 .LBB2_1-.Ltmp1, $4  }
0x84: {  	[hbm:s24], [sflag:s6] =	dma.local [spmem:s10], $0x278  }
0x85: {  	_ =	swait.ge [sflag:s11], $0x278  }
0x86: {  	[sflag:s11] =	ssyncset.done $0x0  }
0x87: {  	[sflag:s11] =	ssyncadd.s32 $0xFFFFFD88  }
0x88: {  	_ =	sfence.sel $0x180000  }
0x89: {  	[bflag:$0x0] =	sbarrier.arrive $0xFFFF  }
0x8a: {  	_ =	strace $0x9000004D  }
0x8b: {  	s0 =	stileid.u32;
	[bflag:$0x2] =	sbarrier.arrive $0xFFFF  }
0x8c: {  	p0 =	sne.s32 s0, $0x0;
	s0 =	rddreg [dreg:$0x2]  }
0x8d: {  	s0 =	sadd.s32 @!p0 $0x100000, s0  }
0x8e: {  	[sflag:s0] =	ssyncadd.tile.s32 @!p0 $0x1;
	_ =	shalt  }
.Lfunc_end2:
_tile_overlayer_lowered:
.L_overlay_start_2:
0x8f: {  	(tag) =	ssettag $0x2  }
0x90: {  	s0 =	rddreg [dreg:$0x0];
	s2 =	stileid.u32  }
0x91: {  	s1 =	rddreg [dreg:$0x1];
	p0 =	sne.s32 s2, $0x0  }
0x92: {  	s3 =	rddreg [dreg:$0x2];
	[bflag:$0x3] =	sbarrier.arrive $0xFFFF;
	s2 =	simm.s32 @!p0 $0x1C09  }
0x93: {  	[timem:s3], [sflag:s2] =	dma.local @!p0 [hbm:s0], s1  }
0x94: {  	s0 =	simm.s32 @!p0 $0x9  }
0x95: {  	_ =	swait.ge @!p0 [sflag:s0], s1  }
0x96: {  	s1 =	ssub.s32 @!p0 $0x0, s1;
	[sflag:s0] =	ssyncset.done @!p0 $0x0  }
0x97: {  	[sflag:s0] =	ssyncadd.s32 @!p0 s1  }
0x98: {  	[bflag:$0x3] =	sbarrier.arrive $0xFFFF  }
0x99: {  	_ =	shalt  }

// kernel: kernel.9.cloned.1.call-start
scs
__scs_entry_jumppad:
0x0: {  	(pc) =	sbr.rel $0x88, $3  }
0x1: {  	(tag) =	ssettag $0x0;
	lr =	simm.s32 $0x1  }
0x2: {  	[smem:$0x3F9B] =	sst lr;
	_ =	strace $0xD0000000  }
0x3: {  	_ = 	snop  }
0x4: {  	_ = 	snop  }
0x5: {  	_ = 	snop  }
0x6: {  	_ = 	snop  }
0x7: {  	_ = 	snop  }
__scs_overlays_trampoline_lowered:
0x8: {  	[smem:$0x3FAA] =	sst s0  }
0x9: {  	[smem:$0x3FAB] =	sst s1  }
0xa: {  	[smem:$0x3FAC] =	sst s2  }
0xb: {  	[smem:$0x3FAD] =	sst s3  }
0xc: {  	[smem:$0x3FAE] =	sst s4  }
0xd: {  	[smem:$0x3FAF] =	sst s5  }
0xe: {  	[smem:$0x3FB0] =	sst s6  }
0xf: {  	[smem:$0x3FB1] =	sst s7  }
0x10: {  	[smem:$0x3FB2] =	sst s8  }
0x11: {  	[smem:$0x3FB3] =	sst s9;
	s0 =	simm.s32 @!p0 $0x0  }
0x12: {  	s1 =	sld [smem:$0x3F99];
	s0 =	simm.s32 @p0 $0x1  }
0x13: {  	[smem:$0x3FB4] =	sst s0;
	s0 =	simm.s32 @!p1 $0x0  }
0x14: {  	s2 =	sld [smem:$0x3F98];
	s0 =	simm.s32 @p1 $0x1  }
0x15: {  	[smem:$0x3FB5] =	sst s0;
	s0 =	simm.s32 @!p2 $0x0  }
0x16: {  	s3 =	sld [smem:$0x3FDB];
	s0 =	simm.s32 @p2 $0x1  }
0x17: {  	s4 =	simm.s32 $0x1BF5;
	[smem:$0x3FB7] =	sst s0  }
0x18: {  	s0 =	sld [smem:$0x3F9A];
	_ =	swait.ge [sflag:s4], $0x0  }
0x19: {  	s7 =	sld [smem:$0x3F9B]  }
0x1a: {  	s8 =	sadd.s32 $0xFFFFE003, lr  }
0x1b: {  	s9 =	sadd.s32 $0xFFFFFEF7, lr;
	s5 =	simm.s32 $0xFFFFFFFF;
	p2 =	slt.u32 s8, $0xFFFFF086  }
0x1c: {  	p1 =	slt.u32 s9, $0xF7A;
	s5 =	simm.s32 @!p2 $0x0  }
0x1d: {  	s5 =	simm.s32 @p1 $0x1;
	p0 =	seq.s32 s7, s2  }
0x1e: {  	s7 =	smul.u32 @!p0 $0xF7A, s2;
	p2 =	seq.s32 @!p0 s5, $0x0  }
0x1f: {  	s9 =	smul.u32 $0xF7A, s1;
	s8 =	simm.s32 @!p0 $0x1BF5;
	p2 =	por !p2, p0  }
0x20: {  	[sflag:s8] =	ssyncset.s32 @!p0 $0xFFFFF086;
	s6 =	sadd.s32 @!p0 s3, s7;
	s7 =	simm.s32 @!p0 $0x108  }
0x21: {  	s3 =	sadd.s32 s3, s9;
	s6 =	sadd.s32 @!p0 $0x88, s6;
	s7 =	simm.s32 @p2 $0x1082  }
0x22: {  	[simem:s7], [sflag:s8] =	dma.local @!p0 [hbm:s6], $0xF7A  }
0x23: {  	s9 =	sor.u32 $0xD0000000, s2;
	s6 =	simm.s32 $0x108;
	_ =	swait.ge @!p0 [sflag:s8], $0x0  }
0x24: {  	s3 =	sadd.s32 $0x88, s3;
	s6 =	simm.s32 @!p1 $0x1082;
	[sflag:s4] =	ssyncset.s32 $0xFFFFF086  }
0x25: {  	[simem:s6], [sflag:s4] =	dma.local [hbm:s3], $0xF7A  }
0x26: {  	[smem:$0x3F9B] =	sst s1;
	(tag) =	ssettag s2;
	_ =	strace s9  }
0x27: {  	s1 =	sld [smem:$0x3FAB]  }
0x28: {  	s2 =	sld [smem:$0x3FAC]  }
0x29: {  	s4 =	sld [smem:$0x3FAE]  }
0x2a: {  	p0 =	seq.s32 s5, $0x0;
	s5 =	sld [smem:$0x3FAF]  }
0x2b: {  	s6 =	sld [smem:$0x3FB0]  }
0x2c: {  	s7 =	sld [smem:$0x3FB1]  }
0x2d: {  	s3 =	simm.s32 $0x108;
	s8 =	sld [smem:$0x3FB2]  }
0x2e: {  	s3 =	simm.s32 @!p0 $0x1082;
	s9 =	sld [smem:$0x3FB3]  }
0x2f: {  	lr =	sadd.s32 s0, s3;
	s0 =	sld [smem:$0x3FAA]  }
0x30: {  	s3 =	sld [smem:$0x3FAD]  }
0x31: {  	[smem:$0x3FB6] =	sst s10  }
0x32: {  	s10 =	sld [smem:$0x3FB4];
	_ =	sdelay $0x3  }
0x33: {  	p0 =	seq.s32 s10, $0x1;
	s10 =	sld [smem:$0x3FB6];
	_ =	sdelay $0x3  }
0x34: {  	[smem:$0x3FB6] =	sst s10  }
0x35: {  	s10 =	sld [smem:$0x3FB5];
	_ =	sdelay $0x3  }
0x36: {  	p1 =	seq.s32 s10, $0x1;
	s10 =	sld [smem:$0x3FB6];
	_ =	sdelay $0x3  }
0x37: {  	[smem:$0x3FB6] =	sst s10  }
0x38: {  	s10 =	sld [smem:$0x3FB7]  }
0x39: {  	_ = 	snop;
	(pc) =	sbr.ind lr, $3  }
0x3a: {  	_ = 	snop  }
0x3b: {  	_ = 	snop  }
0x3c: {  	p2 =	seq.s32 s10, $0x1;
	s10 =	sld [smem:$0x3FB6]  }
0x3d: {  	_ =	shalt  }
0x3e: {  	_ =	shalt  }
0x3f: {  	_ =	shalt  }
0x40: {  	_ =	shalt  }
0x41: {  	_ =	shalt  }
0x42: {  	_ =	shalt  }
0x43: {  	_ =	shalt  }
0x44: {  	_ =	shalt  }
0x45: {  	_ =	shalt  }
0x46: {  	_ =	shalt  }
0x47: {  	_ =	shalt  }
0x48: {  	_ =	shalt  }
0x49: {  	_ =	shalt  }
0x4a: {  	_ =	shalt  }
0x4b: {  	_ =	shalt  }
0x4c: {  	_ =	shalt  }
0x4d: {  	_ =	shalt  }
0x4e: {  	_ =	shalt  }
0x4f: {  	_ =	shalt  }
0x50: {  	_ =	shalt  }
0x51: {  	_ =	shalt  }
0x52: {  	_ =	shalt  }
0x53: {  	_ =	shalt  }
0x54: {  	_ =	shalt  }
0x55: {  	_ =	shalt  }
0x56: {  	_ =	shalt  }
0x57: {  	_ =	shalt  }
0x58: {  	_ =	shalt  }
0x59: {  	_ =	shalt  }
0x5a: {  	_ =	shalt  }
0x5b: {  	_ =	shalt  }
0x5c: {  	_ =	shalt  }
0x5d: {  	_ =	shalt  }
0x5e: {  	_ =	shalt  }
0x5f: {  	_ =	shalt  }
0x60: {  	_ =	shalt  }
0x61: {  	_ =	shalt  }
0x62: {  	_ =	shalt  }
0x63: {  	_ =	shalt  }
0x64: {  	_ =	shalt  }
0x65: {  	_ =	shalt  }
0x66: {  	_ =	shalt  }
0x67: {  	_ =	shalt  }
0x68: {  	_ =	shalt  }
0x69: {  	_ =	shalt  }
0x6a: {  	_ =	shalt  }
0x6b: {  	_ =	shalt  }
0x6c: {  	_ =	shalt  }
0x6d: {  	_ =	shalt  }
0x6e: {  	_ =	shalt  }
0x6f: {  	_ =	shalt  }
0x70: {  	_ =	shalt  }
0x71: {  	_ =	shalt  }
0x72: {  	_ =	shalt  }
0x73: {  	_ =	shalt  }
0x74: {  	_ =	shalt  }
0x75: {  	_ =	shalt  }
0x76: {  	_ =	shalt  }
0x77: {  	_ =	shalt  }
0x78: {  	_ =	shalt  }
0x79: {  	_ =	shalt  }
0x7a: {  	_ =	shalt  }
0x7b: {  	_ =	shalt  }
0x7c: {  	_ =	shalt  }
0x7d: {  	_ =	shalt  }
0x7e: {  	_ =	shalt  }
0x7f: {  	_ =	shalt  }
0x80: {  	_ =	shalt  }
0x81: {  	_ =	shalt  }
0x82: {  	_ =	shalt  }
0x83: {  	_ =	shalt  }
0x84: {  	_ =	shalt  }
0x85: {  	_ =	shalt  }
0x86: {  	_ =	shalt  }
0x87: {  	_ =	shalt  }
.Lfunc_end0:
.L_simem_size_0:
called_computation_lowered:
.L_overlay_start_0:
0x88: {  	s2 =	sld [smem:$0x3FD9]  }
0x89: {  	s3 =	sld [smem:$0x3FFE];
	_ =	sdelay $0x1  }
0x8a: {  	s1 =	srdreg.scid  }
0x8b: {  	s0 =	sand.u32 $0x1, s1  }
0x8c: {  	s17 =	sshll.u32 s0, $0xA;
	s2 =	sadd.s32 s3, s2  }
0x8d: {  	s2 =	sadd.s32 s2, s17  }
0x8e: {  	[smem:$0x3FC2] =	sst s2  }
0x8f: {  	_ = 	snop  }
0x90: {  	s2 =	sld [smem:$0x3FD0];
	(tm) =	ssettm $0x1  }
0x91: {  	s18 =	sld [smem:$0x3FFB];
	_ =	sdelay $0x3  }
0x92: {  	_ =	strace s18  }
0x93: {  	s3 =	sld [smem:$0x3FFC];
	_ =	sdelay $0x3  }
0x94: {  	_ =	strace s3  }
0x95: {  	s3 =	sld [smem:$0x3FFD];
	_ =	sdelay $0x3  }
0x96: {  	_ =	strace s3  }
0x97: {  	_ =	strace $0x8FFFFFFF  }
0x98: {  	s19 =	sld [smem:$0x3FDB];
	_ =	sdelay $0x1  }
0x99: {  	s4 =	simm.s32 $_scs_section_size  }
0x9a: {  	s5 =	simm.s32 $_size__tile_overlayer_lowered;
	s6 =	simm.s32 $_tile_overlayer_lowered  }
0x9b: {  	s22 =	simm.s32 $0x1BFF;
	s21 =	sshll.u32 s6, $0x1;
	s3 =	sadd.s32 s4, s19  }
0x9c: {  	s7 =	simm.s32 $0x0;
	s20 =	sshll.u32 s5, $0x1;
	s5 =	sadd.s32 s21, s3  }
0x9d: {  	[timem:s7], [sflag:s22] =	dma.local [hbm:s5], s20  }
0x9e: {  	_ =	swait.ge [sflag:s22], s20  }
0x9f: {  	s4 =	ssub.s32 $0x0, s20;
	[sflag:s22] =	ssyncset.done $0x0  }
0xa0: {  	[sflag:s22] =	ssyncadd.s32 s4;
	_ =	sdelay $0x1  }
0xa1: {  	s23 =	simm.s32 $0x1B8B  }
0xa2: {  	_ =	swait.ge [sflag:s23], $0x1  }
0xa3: {  	[sflag:s23] =	ssyncset.done $0x0  }
0xa4: {  	s25 =	simm.s32 $0x1B8E;
	s24 =	sld [smem:$0x3FFE];
	[sflag:s23] =	ssyncadd.s32 $0xFFFFFFFF  }
0xa5: {  	s26 =	simm.s32 $execute0_lowered;
	[smem:$0x3FD2] =	sst s25  }
0xa6: {  	s5 =	sshll.u32 s26, $0x1;
	_ =	strace $0x80000046;
	[dreg:$0x1] =	wrdreg $0xFFFFFFFF  }
0xa7: {  	s28 =	simm.s32 $_size_execute0_lowered;
	s3 =	sadd.s32 s3, s5;
	[dreg:$0x0] =	wrdreg $0x0  }
0xa8: {  	s5 =	sshll.u32 s28, $0x1;
	[dreg:$0x2] =	wrdreg s3  }
0xa9: {  	[dreg:$0x3] =	wrdreg s5  }
0xaa: {  	[dreg:$0x4] =	wrdreg $0xC0  }
0xab: {  	_ =	task [dreg:s7], $0x5FFFF  }
0xac: {  	[dreg:$0x1] =	wrdreg $0xFFFFFFFF  }
0xad: {  	[dreg:$0x0] =	wrdreg $0x60  }
0xae: {  	[dreg:$0x2] =	wrdreg s2  }
0xaf: {  	[dreg:$0x3] =	wrdreg s24  }
0xb0: {  	[dreg:$0x4] =	wrdreg $0x30000  }
0xb1: {  	[dreg:$0x5] =	wrdreg $0x9  }
0xb2: {  	_ =	task.clear_ibuf [dreg:s7], $0x6FFFF;
	_ =	strace $0x90000046  }
0xb3: {  	s29 =	simm.s32 $0x9;
	_ =	strace $0x80000048  }
0xb4: {  	_ =	swait.ge [sflag:s29], $0x1  }
0xb5: {  	[sflag:s29] =	ssyncadd.s32 $0xFFFFFFFF  }
0xb6: {  	_ =	strace $0x90000048  }
0xb7: {  	_ =	sfence  }
0xb8: {  	s30 =	sld [smem:$0x0];
	_ =	sdelay $0x2  }
0xb9: {  	s31 =	sshll.u32 s1, $0xD;
	s1 =	sshrl.u32 s1, $0x2  }
0xba: {  	s3 =	sand.u32 $0x4000, s31;
	s1 =	sadd.s32 s1, s30  }
0xbb: {  	s0 =	sor.u32 s3, s0;
	s1 =	sshll.u32 s1, $0x11  }
0xbc: {  	s0 =	sor.u32 s1, s0  }
0xbd: {  	s0 =	sadd.s32 $0x8F2B, s0  }
0xbe: {  	[sflag:s0] =	ssyncadd.remote.s32 $0x1  }
0xbf: {  	_ =	sfence.sel $0xFFFF  }
0xc0: {  	[dreg:$0x0] =	wrdreg $0xFFFFFFFF;
	(pc) =	sbr.abs _section_cstart, $3  }
0xc1: {  	[dreg:$0x1] =	wrdreg $0xFFFFFFFF  }
0xc2: {  	_ =	task.clear_ibuf [dreg:s7], $0x2FFFF;
	_ =	strace $0x9FFFFFFF  }
0xc3: {  	(tm) =	ssettm $0x7FFFFFFF  }
tec
execute0_lowered:
.L_overlay_start_1:
0x0: {  	(tag) =	ssettag $0x1  }
0x1: {  	s1 =	rddreg [dreg:$0x0]  }
0x2: {  	s5 =	rddreg [dreg:$0x1]  }
0x3: {  	s2 =	rddreg [dreg:$0x2]  }
0x4: {  	s3 =	srdreg.scid;
	s0 =	rddreg [dreg:$0x3]  }
0x5: {  	s4 =	simm.s32 $0x0;
	s13 =	simm.s32 $0x100;
	s14 =	simm.s32 $0x180  }
0x6: {  	s15 =	simm.s32 $0x1;
	s16 =	simm.s32 $0x2;
	s17 =	simm.s32 $0x3  }
0x7: {  	s18 =	simm.s32 $0x4;
	s6 =	sand.u32 $0x1, s3;
	s3 =	stileid.u32  }
0x8: {  	[smem:$0x7FF] =	sst s4;
	s7 =	sshll.u32 s6, $0x4;
	s8 =	smul.u32 $0x2780, s3  }
0x9: {  	_ =	strace $0x80000047;
	s9 =	smul.u32 $0x4F00, s6;
	s6 =	ssub.s32 $0x2, s6  }
0xa: {  	s31 =	sshll.u32 s3, $0x6;
	s7 =	sor.u32 s3, s7;
	s11 =	sshrl.u32 s6, $0x1  }
0xb: {  	s7 =	smul.u32 $0x500, s7;
	s19 =	sshrl.u32 s8, $0x3;
	s9 =	sadd.s32 s9, s5  }
0xc: {  	s11 =	ssub.s32 s6, s11;
	s12 =	sadd.s32 s8, s2;
	s6 =	sor.u32 $0x1C05, s31  }
0xd: {  	s10 =	sadd.s32 s19, s5;
	s20 =	sadd.s32 $0x1A600, s9;
	s8 =	smax.u32 s11, $0x1  }
0xe: {  	s9 =	sshrl.u32 s12, $0x3;
	s11 =	simm.s32 $0x2800;
	s12 =	simm.s32 $0x80  }
0xf: {  	s7 =	sadd.s32 s7, s5;
	s5 =	sadd.s32 $0x15600, s10;
	s10 =	simm.s32 $0x5  }
0x10: {  	s19 =	sadd.s32 s19, s20;
	s20 =	simm.s32 $0x0;
	s7 =	sadd.s32 $0x1600, s7  }
.LBB2_1:
0x11: {  	[spmem:s9], [sflag:s6] =	dma.local [hbm:s5], $0x4F0  }
0x12: {  	_ =	swait.ge [sflag:s10], $0x4F0  }
0x13: {  	[sflag:s10] =	ssyncset.done $0x0  }
0x14: {  	[sflag:s10] =	ssyncadd.s32 $0xFFFFFB10  }
0x15: {  	[tilespmem:s11], [sflag:$0x5] =	stream.linear.gather [hbm4b:s1+s4], $0x800, $0x38;
	[tilespmem:$0x5780] =	vst v63  }
0x16: {  	_ =	swait.ge [sflag:s10], $0x800  }
0x17: {  	[sflag:s10] =	ssyncset.done $0x0  }
0x18: {  	[sflag:s10] =	ssyncadd.s32 $0xFFFFF800  }
0x19: {  	[bflag:$0x0] =	sbarrier.arrive $0xFFFF  }
0x1a: {  	[tilespmem:s4], [sflag:$0x5] =	stream.linear.gather [hbm4b:s7+s4], $0x2800, $0x38;
	[tilespmem:$0x5780] =	vst v63  }
0x1b: {  	_ =	swait.ge [sflag:s10], $0x2800  }
0x1c: {  	[sflag:s10] =	ssyncset.done $0x0  }
0x1d: {  	[sflag:s10] =	ssyncadd.s32 $0xFFFFD800  }
0x1e: {  	[spmem:s2] =	stream.indirect.scatter.add.f32 [tilespmem:s11], [sflag:$0x1], $0x10, s4, s12, $0xb8;
	[tilespmem:$0x5780] =	vst v63  }
0x1f: {  	_ = 	snop  }
0x20: {  	[spmem:s2] =	stream.indirect.scatter.add.f32 [tilespmem:s11], [sflag:$0x2], $0x10, s12, s12, $0xb8;
	[tilespmem:$0x5780] =	vst v63  }
0x21: {  	_ = 	snop  }
0x22: {  	[spmem:s2] =	stream.indirect.scatter.add.f32 [tilespmem:s11], [sflag:$0x3], $0x10, s13, s12, $0xb8;
	[tilespmem:$0x5780] =	vst v63  }
0x23: {  	_ = 	snop  }
0x24: {  	[spmem:s2] =	stream.indirect.scatter.add.f32 [tilespmem:s11], [sflag:$0x4], $0x10, s14, s12, $0xb8;
	[tilespmem:$0x5780] =	vst v63  }
0x25: {  	_ =	swait.ge [sflag:s15], $0x800  }
0x26: {  	[sflag:s15] =	ssyncset.done $0x0  }
0x27: {  	s21 =	simm.s32 $0x200;
	[sflag:s15] =	ssyncadd.s32 $0xFFFFF800  }
0x28: {  	[spmem:s2] =	stream.indirect.scatter.add.f32 [tilespmem:s11], [sflag:$0x1], $0x10, s21, s12, $0xb8;
	[tilespmem:$0x5780] =	vst v63  }
0x29: {  	_ =	swait.ge [sflag:s16], $0x800  }
0x2a: {  	[sflag:s16] =	ssyncset.done $0x0  }
0x2b: {  	s30 =	simm.s32 $0x280;
	[sflag:s16] =	ssyncadd.s32 $0xFFFFF800  }
0x2c: {  	[spmem:s2] =	stream.indirect.scatter.add.f32 [tilespmem:s11], [sflag:$0x2], $0x10, s30, s12, $0xb8;
	[tilespmem:$0x5780] =	vst v63  }
0x2d: {  	_ =	swait.ge [sflag:s17], $0x800  }
0x2e: {  	[sflag:s17] =	ssyncset.done $0x0  }
0x2f: {  	s31 =	simm.s32 $0x300;
	[sflag:s17] =	ssyncadd.s32 $0xFFFFF800  }
0x30: {  	[spmem:s2] =	stream.indirect.scatter.add.f32 [tilespmem:s11], [sflag:$0x3], $0x10, s31, s12, $0xb8;
	[tilespmem:$0x5780] =	vst v63  }
0x31: {  	_ =	swait.ge [sflag:s18], $0x800  }
0x32: {  	[sflag:s18] =	ssyncset.done $0x0  }
0x33: {  	s22 =	simm.s32 $0x380;
	s21 =	simm.s32 $0xFFFF7000;
	[sflag:s18] =	ssyncadd.s32 $0xFFFFF800  }
.LBB2_2:
0x34: {  	[spmem:s2] =	stream.indirect.scatter.add.f32 [tilespmem:s11], [sflag:$0x4], $0x10, s22, s12, $0xb8;
	[tilespmem:$0x5780] =	vst v63  }
0x35: {  	s22 =	smov.u32 s21  }
0x36: {  	p0 =	sne.s32 s21, $0xFFFFF800;
	s21 =	sadd.s32 $0x800, s21;
	_ =	swait.ge [sflag:s15], $0x800  }
0x37: {  	s22 =	sshra.s32 s22, $0x2;
	[sflag:s15] =	ssyncset.done $0x0  }
0x38: {  	s23 =	sadd.s32 $0x2800, s22;
	[sflag:s15] =	ssyncadd.s32 $0xFFFFF800  }
0x39: {  	[spmem:s2] =	stream.indirect.scatter.add.f32 [tilespmem:s11], [sflag:$0x1], $0x10, s23, s12, $0xb8;
	[tilespmem:$0x5780] =	vst v63  }
0x3a: {  	_ =	swait.ge [sflag:s16], $0x800  }
0x3b: {  	[sflag:s16] =	ssyncset.done $0x0  }
0x3c: {  	s23 =	sadd.s32 $0x2880, s22;
	[sflag:s16] =	ssyncadd.s32 $0xFFFFF800  }
0x3d: {  	[spmem:s2] =	stream.indirect.scatter.add.f32 [tilespmem:s11], [sflag:$0x2], $0x10, s23, s12, $0xb8;
	[tilespmem:$0x5780] =	vst v63  }
0x3e: {  	_ =	swait.ge [sflag:s17], $0x800  }
0x3f: {  	[sflag:s17] =	ssyncset.done $0x0  }
.Ltmp0:
0x40: {  	s23 =	sadd.s32 $0x2900, s22;
	[sflag:s17] =	ssyncadd.s32 $0xFFFFF800;
	(pc) =	sbr.rel @p0 .LBB2_2-.Ltmp0, $4  }
0x41: {  	[spmem:s2] =	stream.indirect.scatter.add.f32 [tilespmem:s11], [sflag:$0x3], $0x10, s23, s12, $0xb8;
	[tilespmem:$0x5780] =	vst v63  }
0x42: {  	_ =	swait.ge [sflag:s18], $0x800  }
0x43: {  	[sflag:s18] =	ssyncset.done $0x0  }
0x44: {  	s22 =	sadd.s32 $0x2980, s22;
	[sflag:s18] =	ssyncadd.s32 $0xFFFFF800  }
0x45: {  	[spmem:s2] =	stream.indirect.scatter.add.f32 [tilespmem:s11], [sflag:$0x4], $0x10, s22, s12, $0xb8;
	[tilespmem:$0x5780] =	vst v63  }
0x46: {  	_ =	swait.ge [sflag:s15], $0x800  }
0x47: {  	[sflag:s15] =	ssyncset.done $0x0  }
0x48: {  	[sflag:s15] =	ssyncadd.s32 $0xFFFFF800  }
0x49: {  	_ =	swait.ge [sflag:s16], $0x800  }
0x4a: {  	[sflag:s16] =	ssyncset.done $0x0  }
0x4b: {  	[sflag:s16] =	ssyncadd.s32 $0xFFFFF800  }
0x4c: {  	_ =	swait.ge [sflag:s17], $0x800  }
0x4d: {  	[sflag:s17] =	ssyncset.done $0x0  }
0x4e: {  	[sflag:s17] =	ssyncadd.s32 $0xFFFFF800  }
0x4f: {  	_ =	swait.ge [sflag:s18], $0x800  }
0x50: {  	s20 =	sadd.s32 $0x1, s20;
	[sflag:s18] =	ssyncset.done $0x0  }
0x51: {  	p0 =	sne.s32 s20, s8;
	[sflag:s18] =	ssyncadd.s32 $0xFFFFF800  }
.Ltmp1:
0x52: {  	[bflag:$0x0] =	sbarrier.arrive $0xFFFF;
	(pc) =	sbr.rel @p0 .LBB2_1-.Ltmp1, $4  }
0x53: {  	[hbm:s19], [sflag:s6] =	dma.local [spmem:s9], $0x4F0  }
0x54: {  	_ =	swait.ge [sflag:s10], $0x4F0  }
0x55: {  	[sflag:s10] =	ssyncset.done $0x0  }
0x56: {  	[sflag:s10] =	ssyncadd.s32 $0xFFFFFB10  }
0x57: {  	_ =	sfence.sel $0x180000  }
0x58: {  	[bflag:$0x0] =	sbarrier.arrive $0xFFFF  }
0x59: {  	p0 =	sne.s32 s3, $0x0;
	_ =	strace $0x90000047  }
0x5a: {  	s0 =	sadd.s32 @!p0 $0x100000, s0;
	[bflag:$0x2] =	sbarrier.arrive $0xFFFF  }
0x5b: {  	[sflag:s0] =	ssyncadd.tile.s32 @!p0 $0x1;
	_ =	shalt  }
.Lfunc_end2:
_tile_overlayer_lowered:
.L_overlay_start_2:
0x5c: {  	(tag) =	ssettag $0x2  }
0x5d: {  	s0 =	rddreg [dreg:$0x0];
	s2 =	stileid.u32  }
0x5e: {  	s1 =	rddreg [dreg:$0x1];
	p0 =	sne.s32 s2, $0x0  }
0x5f: {  	s3 =	rddreg [dreg:$0x2];
	[bflag:$0x3] =	sbarrier.arrive $0xFFFF;
	s2 =	simm.s32 @!p0 $0x1C05  }
0x60: {  	[timem:s3], [sflag:s2] =	dma.local @!p0 [hbm:s0], s1  }
0x61: {  	s0 =	simm.s32 @!p0 $0x5  }
0x62: {  	_ =	swait.ge @!p0 [sflag:s0], s1  }
0x63: {  	s1 =	ssub.s32 @!p0 $0x0, s1;
	[sflag:s0] =	ssyncset.done @!p0 $0x0  }
0x64: {  	[sflag:s0] =	ssyncadd.s32 @!p0 s1  }
0x65: {  	[bflag:$0x3] =	sbarrier.arrive $0xFFFF  }
0x66: {  	_ =	shalt  }

</sc_bundles>
